<compile_context>
chip_gen: v7x
topology: tpu7x:2x2x1
jax: 0.10.2.dev20260603
libtpu: 0.0.44.dev20260713+nightly
codegen_flags: <defaults>
</compile_context>

<pallas_src>
import dataclasses
import functools

import numpy as np

import jax
import jax.numpy as jnp
from jax import lax
from jax.experimental import pallas as pl
from jax.experimental.pallas import tpu as pltpu
from jax.experimental.pallas import tpu_sc as plsc

NUM_WORKERS = 32
GW = 128
BT_PER_W = 4
L = 16


def _compiler_params():
    cp = pltpu.CompilerParams(use_tc_tiling_on_sc=False)
    if "needs_layout_passes" in pltpu.CompilerParams.__dataclass_fields__:
        cp = dataclasses.replace(cp, needs_layout_passes=False)
    return cp


def kernel(input, w_q, w_scale, w_zero_point):
    B, H = input.shape
    V, D = w_q.shape
    n_bt = B // GW
    n_dt = D // 8
    rows_w = BT_PER_W * GW
    tile_words = 8 * GW
    assert n_bt == NUM_WORKERS * BT_PER_W and D % 8 == 0 and B % GW == 0

    idx3 = input.T.astype(jnp.int32).reshape(H, n_bt, GW)
    coef_a = (1.0 / w_scale).astype(jnp.float32)
    coef_b = (w_zero_point / w_scale).astype(jnp.float32)
    ab = jnp.stack([coef_a, coef_b])[:, None] * jnp.ones((2, L), jnp.float32)

    ks = np.arange(L)
    col_pat = []
    dst_pat = []
    for c0 in range(D):
        cc = (c0 + ks) % D
        col_pat.append(cc.astype(np.int32))
        dst_pat.append(((cc >> 3) * (BT_PER_W * tile_words)
                        + (cc & 7) * GW + ks).astype(np.int32))
    lane_pat = jnp.asarray(np.stack(col_pat + dst_pat))

    mesh = plsc.VectorSubcoreMesh(core_axis_name="c", subcore_axis_name="s")

    @functools.partial(
        pl.kernel,
        out_type=jax.ShapeDtypeStruct((H, n_dt, n_bt * tile_words), jnp.float32),
        mesh=mesh,
        compiler_params=_compiler_params(),
        scratch_types=[
            pltpu.VMEM((2, BT_PER_W, GW), jnp.int32),
            pltpu.VMEM((2 * rows_w, D), jnp.float32),
            pltpu.VMEM((2 * n_dt * BT_PER_W * tile_words,), jnp.float32),
            pltpu.VMEM((2, L), jnp.float32),
            pltpu.VMEM((2 * D, L), jnp.int32),
            pltpu.SemaphoreType.DMA,
            pltpu.SemaphoreType.DMA,
            pltpu.SemaphoreType.DMA,
        ],
    )
    def sc_kernel(table_hbm, idx_hbm, ab_hbm, pat_hbm, out_hbm,
                  idx_v, rows_v, tiles_v, ab_v, pat_v, sem_i, sem_g, sem_w):
        wid = lax.axis_index("s") * 2 + lax.axis_index("c")
        bt0 = wid * BT_PER_W
        pltpu.sync_copy(ab_hbm, ab_v)
        pltpu.sync_copy(pat_hbm, pat_v)
        va = ab_v[0, :]
        vb = ab_v[1, :]
        iota16 = lax.iota(jnp.int32, L)
        nt = n_dt * BT_PER_W * tile_words

        def compute(p):
            @pl.loop(0, rows_w // L)
            def _(b16):
                row_ids = iota16 + (p * rows_w + b16 * L)
                sbase = p * nt + (b16 // 8) * tile_words + (b16 % 8) * L
                for c0 in range(D):
                    v = plsc.load_gather(rows_v, [row_ids, pat_v[c0, :]])
                    dst = pat_v[D + c0, :] + sbase
                    plsc.store_scatter(tiles_v, [dst], v * va + vb)

        def gathers(p):
            return [
                pltpu.async_copy(
                    table_hbm.at[idx_v.at[p, k]],
                    rows_v.at[pl.ds(p * rows_w + k * GW, GW)],
                    sem_g,
                )
                for k in range(BT_PER_W)
            ]

        def writes(p, h):
            return [
                pltpu.async_copy(
                    tiles_v.at[pl.ds(p * nt + dt * BT_PER_W * tile_words,
                                     BT_PER_W * tile_words)],
                    out_hbm.at[h, dt, pl.ds(bt0 * tile_words,
                                            BT_PER_W * tile_words)],
                    sem_w,
                )
                for dt in range(n_dt)
            ]

        @pl.loop(0, H // 2)
        def _(j):
            h0 = 2 * j
            ci0 = pltpu.async_copy(idx_hbm.at[h0, pl.ds(bt0, BT_PER_W)],
                                   idx_v.at[0], sem_i)
            ci1 = pltpu.async_copy(idx_hbm.at[h0 + 1, pl.ds(bt0, BT_PER_W)],
                                   idx_v.at[1], sem_i)
            ci0.wait()
            g0 = gathers(0)
            ci1.wait()
            g1 = gathers(1)
            for cp in g0:
                cp.wait()
            compute(0)
            w0 = writes(0, h0)
            for cp in g1:
                cp.wait()
            compute(1)
            w1 = writes(1, h0 + 1)
            for cp in w0 + w1:
                cp.wait()

    out5 = sc_kernel(w_q, idx3, ab, lane_pat)
    return (
        out5.reshape(H, n_dt, n_bt, 8, GW)
        .transpose((2, 4, 0, 1, 3))
        .reshape(B, H, D)
    )

# --- scband reference (transcript-rebuilt; emitter-appended) ---
"""Pipeline reference for scband-range-linear-embedding-wrapper-57887569216136 (READ-ONLY COPY).

The authoritative reference and input builder live on the scoring server;
editing this copy changes nothing except your own understanding.
"""

import jax, jax.numpy as jnp
import numpy as np

NUM_BITS = 8
VOCAB = 1000000
DIM = 32
BATCH = 16384
HIST = 50


def setup_inputs(seed: int = 0) -> dict:
    key = jax.random.key(seed)
    k_idx, k_w = jax.random.split(key)
    indices = jax.random.randint(k_idx, (BATCH, HIST), 0, VOCAB)
    weight = jax.random.normal(k_w, (VOCAB, DIM), dtype=jnp.float32)
    # __init__-time symmetric quantization of the embedding table (distiller semantics):
    # scale = (2^num_bits - 1) / (2 * max|w|), zero_point = 0,
    # w_q = clamp(round(w * scale - zp), -2^(n-1), 2^(n-1)-1)
    sat_val = jnp.max(jnp.abs(weight))
    w_scale = (2.0 ** NUM_BITS - 1.0) / (2.0 * sat_val)
    w_zero_point = jnp.zeros((), dtype=jnp.float32)
    min_q = -(2 ** (NUM_BITS - 1))
    max_q = 2 ** (NUM_BITS - 1) - 1
    w_q = jnp.clip(jnp.round(weight * w_scale - w_zero_point), min_q, max_q)
    return {"input": indices, "w_q": w_q, "w_scale": w_scale, "w_zero_point": w_zero_point}


def reference(input, w_q, w_scale, w_zero_point):
    # forward: quantized embedding lookup (gather) then linear dequantize
    out_q = jnp.take(w_q, input, axis=0)
    out_f = (out_q + w_zero_point) / w_scale
    return out_f

if __name__ == "__main__":
    import jax
    _d = setup_inputs()
    print(jax.jit(kernel)(*tuple(_d.values())))

</pallas_src>

<mosaic_0001>
#map = affine_map<(d0, d1) -> (0, 0)>
#map1 = affine_map<(d0, d1) -> (0, 0, 0)>
module attributes {stable_mosaic.version = 14 : i64} {
  func.func @sc_kernel(%arg0: i32, %arg1: i32, %arg2: memref<1000000x32xf32, #tpu.memory_space<hbm>>, %arg3: memref<50x128x128xi32, #tpu.memory_space<hbm>>, %arg4: memref<2x16xf32, #tpu.memory_space<hbm>>, %arg5: memref<64x16xi32, #tpu.memory_space<hbm>>, %arg6: memref<50x4x131072xf32, #tpu.memory_space<hbm>>, %arg7: memref<2x4x128xi32, #tpu.memory_space<vmem>>, %arg8: memref<1024x32xf32, #tpu.memory_space<vmem>>, %arg9: memref<32768xf32, #tpu.memory_space<vmem>>, %arg10: memref<2x16xf32, #tpu.memory_space<vmem>>, %arg11: memref<64x16xi32, #tpu.memory_space<vmem>>, %arg12: memref<!tpu.dma_semaphore, #tpu.memory_space<semaphore_mem>>, %arg13: memref<!tpu.dma_semaphore, #tpu.memory_space<semaphore_mem>>, %arg14: memref<!tpu.dma_semaphore, #tpu.memory_space<semaphore_mem>>) attributes {dimension_semantics = [#tpu.dimension_semantics<core_parallel>, #tpu.dimension_semantics<subcore_parallel>], iteration_bounds = array<i64: 2, 16>, scalar_prefetch = 0 : i64, scratch_operands = 8 : i64, tpu.core_type = #tpu.core_type<sc_vector_subcore>, window_params = [{transform_indices = #map}, {transform_indices = #map1}, {transform_indices = #map}, {transform_indices = #map}, {transform_indices = #map1}]} {
    %mul3A = arith.constant 2 : i32
    %mul3A_0 = arith.muli %arg1, %mul3A : i32
    %add3A = arith.addi %mul3A_0, %arg0 : i32
    %mul3A_1 = arith.constant 4 : i32
    %mul3A_2 = arith.muli %add3A, %mul3A_1 : i32
    "tpu.region"() ({
      %run_scoped3A = tpu.sem_alloc : memref<!tpu.dma_semaphore, #tpu.memory_space<semaphore_mem>>
      tpu.enqueue_dma source(%arg4 : memref<2x16xf32, #tpu.memory_space<hbm>>) target(%arg10 : memref<2x16xf32, #tpu.memory_space<vmem>>) target_semaphore(%run_scoped3A : memref<!tpu.dma_semaphore, #tpu.memory_space<semaphore_mem>>)
      tpu.wait_dma2 semaphore(%run_scoped3A : memref<!tpu.dma_semaphore, #tpu.memory_space<semaphore_mem>>) src(%arg4 : memref<2x16xf32, #tpu.memory_space<hbm>>) dst(%arg10 : memref<2x16xf32, #tpu.memory_space<vmem>>)
      tpu.yield
    }) : () -> ()
    "tpu.region"() ({
      %run_scoped3A = tpu.sem_alloc : memref<!tpu.dma_semaphore, #tpu.memory_space<semaphore_mem>>
      tpu.enqueue_dma source(%arg5 : memref<64x16xi32, #tpu.memory_space<hbm>>) target(%arg11 : memref<64x16xi32, #tpu.memory_space<vmem>>) target_semaphore(%run_scoped3A : memref<!tpu.dma_semaphore, #tpu.memory_space<semaphore_mem>>)
      tpu.wait_dma2 semaphore(%run_scoped3A : memref<!tpu.dma_semaphore, #tpu.memory_space<semaphore_mem>>) src(%arg5 : memref<64x16xi32, #tpu.memory_space<hbm>>) dst(%arg11 : memref<64x16xi32, #tpu.memory_space<vmem>>)
      tpu.yield
    }) : () -> ()
    %get3A = arith.constant 0 : i32
    %get3A_3 = arith.index_cast %get3A : i32 to index
    %get3A_4 = arith.constant 0 : index
    %get3A_5 = tpu.vector_load %arg10[%get3A_3, %get3A_4] {strides = array<i32>} : memref<2x16xf32, #tpu.memory_space<vmem>>, vector<16xf32>,
    %get3A_6 = arith.constant 1 : i32
    %get3A_7 = arith.index_cast %get3A_6 : i32 to index
    %get3A_8 = arith.constant 0 : index
    %get3A_9 = tpu.vector_load %arg10[%get3A_7, %get3A_8] {strides = array<i32>} : memref<2x16xf32, #tpu.memory_space<vmem>>, vector<16xf32>,
    %iota3A = tpu.iota {dimensions = array<i32: 0>} : vector<16xi32>
    %scan3A = arith.constant 0 : i32
    %scan3A_10 = arith.constant 25 : i32
    %scan3A_11 = arith.addi %scan3A, %scan3A_10 : i32
    %scan3A_12 = arith.constant 1 : i32
    scf.for %scan3A_14 = %scan3A to %scan3A_11 step %scan3A_12  : i32 {
      %mul3A_15 = arith.constant 1 : i32
      %mul3A_16 = arith.muli %scan3A_14, %mul3A_15 : i32
      %add3A_17 = arith.constant 0 : i32
      %add3A_18 = arith.addi %add3A_17, %mul3A_16 : i32
      %mul3A_19 = arith.constant 2 : i32
      %mul3A_20 = arith.muli %mul3A_19, %add3A_18 : i32
      %dma_start3A = arith.constant 0 : i32
      %dma_start3A_21 = arith.constant 0 : i32
      %dma_start3A_22 = arith.constant 0 : i32
      %dma_start3A_23 = tpu.memref_slice %arg7[%dma_start3A, %dma_start3A_21, %dma_start3A_22] : memref<2x4x128xi32, #tpu.memory_space<vmem>> -> memref<1x4x128xi32, #tpu.memory_space<vmem>>
      %dma_start3A_24 = tpu.memref_squeeze %dma_start3A_23 : memref<1x4x128xi32, #tpu.memory_space<vmem>> -> memref<4x128xi32, #tpu.memory_space<vmem>>
      %dma_start3A_25 = arith.constant 0 : i32
      %dma_start3A_26 = tpu.memref_slice %arg3[%mul3A_20, %mul3A_2, %dma_start3A_25] : memref<50x128x128xi32, #tpu.memory_space<hbm>> -> memref<1x4x128xi32, #tpu.memory_space<hbm>>
      %dma_start3A_27 = tpu.memref_squeeze %dma_start3A_26 : memref<1x4x128xi32, #tpu.memory_space<hbm>> -> memref<4x128xi32, #tpu.memory_space<hbm>>
      %dma_start3A_28 = arith.constant 0 : i32
      %dma_start3A_29 = arith.constant 0 : i32
      %dma_start3A_30 = tpu.memref_slice %arg7[%dma_start3A, %dma_start3A_28, %dma_start3A_29] : memref<2x4x128xi32, #tpu.memory_space<vmem>> -> memref<1x4x128xi32, #tpu.memory_space<vmem>>
      %dma_start3A_31 = tpu.memref_squeeze %dma_start3A_30 : memref<1x4x128xi32, #tpu.memory_space<vmem>> -> memref<4x128xi32, #tpu.memory_space<vmem>>
      %dma_start3A_32 = arith.constant 0 : i32
      %dma_start3A_33 = tpu.memref_slice %arg3[%mul3A_20, %mul3A_2, %dma_start3A_32] : memref<50x128x128xi32, #tpu.memory_space<hbm>> -> memref<1x4x128xi32, #tpu.memory_space<hbm>>
      %dma_start3A_34 = tpu.memref_squeeze %dma_start3A_33 : memref<1x4x128xi32, #tpu.memory_space<hbm>> -> memref<4x128xi32, #tpu.memory_space<hbm>>
      tpu.enqueue_dma source(%dma_start3A_34 : memref<4x128xi32, #tpu.memory_space<hbm>>) target(%dma_start3A_31 : memref<4x128xi32, #tpu.memory_space<vmem>>) target_semaphore(%arg12 : memref<!tpu.dma_semaphore, #tpu.memory_space<semaphore_mem>>)
      %add3A_35 = arith.constant 1 : i32
      %add3A_36 = arith.addi %mul3A_20, %add3A_35 : i32
      %dma_start3A_37 = arith.constant 1 : i32
      %dma_start3A_38 = arith.constant 0 : i32
      %dma_start3A_39 = arith.constant 0 : i32
      %dma_start3A_40 = tpu.memref_slice %arg7[%dma_start3A_37, %dma_start3A_38, %dma_start3A_39] : memref<2x4x128xi32, #tpu.memory_space<vmem>> -> memref<1x4x128xi32, #tpu.memory_space<vmem>>
      %dma_start3A_41 = tpu.memref_squeeze %dma_start3A_40 : memref<1x4x128xi32, #tpu.memory_space<vmem>> -> memref<4x128xi32, #tpu.memory_space<vmem>>
      %dma_start3A_42 = arith.constant 0 : i32
      %dma_start3A_43 = tpu.memref_slice %arg3[%add3A_36, %mul3A_2, %dma_start3A_42] : memref<50x128x128xi32, #tpu.memory_space<hbm>> -> memref<1x4x128xi32, #tpu.memory_space<hbm>>
      %dma_start3A_44 = tpu.memref_squeeze %dma_start3A_43 : memref<1x4x128xi32, #tpu.memory_space<hbm>> -> memref<4x128xi32, #tpu.memory_space<hbm>>
      %dma_start3A_45 = arith.constant 0 : i32
      %dma_start3A_46 = arith.constant 0 : i32
      %dma_start3A_47 = tpu.memref_slice %arg7[%dma_start3A_37, %dma_start3A_45, %dma_start3A_46] : memref<2x4x128xi32, #tpu.memory_space<vmem>> -> memref<1x4x128xi32, #tpu.memory_space<vmem>>
      %dma_start3A_48 = tpu.memref_squeeze %dma_start3A_47 : memref<1x4x128xi32, #tpu.memory_space<vmem>> -> memref<4x128xi32, #tpu.memory_space<vmem>>
      %dma_start3A_49 = arith.constant 0 : i32
      %dma_start3A_50 = tpu.memref_slice %arg3[%add3A_36, %mul3A_2, %dma_start3A_49] : memref<50x128x128xi32, #tpu.memory_space<hbm>> -> memref<1x4x128xi32, #tpu.memory_space<hbm>>
      %dma_start3A_51 = tpu.memref_squeeze %dma_start3A_50 : memref<1x4x128xi32, #tpu.memory_space<hbm>> -> memref<4x128xi32, #tpu.memory_space<hbm>>
      tpu.enqueue_dma source(%dma_start3A_51 : memref<4x128xi32, #tpu.memory_space<hbm>>) target(%dma_start3A_48 : memref<4x128xi32, #tpu.memory_space<vmem>>) target_semaphore(%arg12 : memref<!tpu.dma_semaphore, #tpu.memory_space<semaphore_mem>>)
      %dma_wait3A = arith.constant 0 : i32
      %dma_wait3A_52 = arith.constant 0 : i32
      %dma_wait3A_53 = arith.constant 0 : i32
      %dma_wait3A_54 = tpu.memref_slice %arg7[%dma_wait3A, %dma_wait3A_52, %dma_wait3A_53] : memref<2x4x128xi32, #tpu.memory_space<vmem>> -> memref<1x4x128xi32, #tpu.memory_space<vmem>>
      %dma_wait3A_55 = tpu.memref_squeeze %dma_wait3A_54 : memref<1x4x128xi32, #tpu.memory_space<vmem>> -> memref<4x128xi32, #tpu.memory_space<vmem>>
      %dma_wait3A_56 = arith.constant 0 : i32
      %dma_wait3A_57 = tpu.memref_slice %arg3[%mul3A_20, %mul3A_2, %dma_wait3A_56] : memref<50x128x128xi32, #tpu.memory_space<hbm>> -> memref<1x4x128xi32, #tpu.memory_space<hbm>>
      %dma_wait3A_58 = tpu.memref_squeeze %dma_wait3A_57 : memref<1x4x128xi32, #tpu.memory_space<hbm>> -> memref<4x128xi32, #tpu.memory_space<hbm>>
      %dma_wait3A_59 = arith.constant 0 : i32
      %dma_wait3A_60 = arith.constant 0 : i32
      %dma_wait3A_61 = tpu.memref_slice %arg7[%dma_wait3A, %dma_wait3A_59, %dma_wait3A_60] : memref<2x4x128xi32, #tpu.memory_space<vmem>> -> memref<1x4x128xi32, #tpu.memory_space<vmem>>
      %dma_wait3A_62 = tpu.memref_squeeze %dma_wait3A_61 : memref<1x4x128xi32, #tpu.memory_space<vmem>> -> memref<4x128xi32, #tpu.memory_space<vmem>>
      %dma_wait3A_63 = arith.constant 0 : i32
      %dma_wait3A_64 = tpu.memref_slice %arg3[%mul3A_20, %mul3A_2, %dma_wait3A_63] : memref<50x128x128xi32, #tpu.memory_space<hbm>> -> memref<1x4x128xi32, #tpu.memory_space<hbm>>
      %dma_wait3A_65 = tpu.memref_squeeze %dma_wait3A_64 : memref<1x4x128xi32, #tpu.memory_space<hbm>> -> memref<4x128xi32, #tpu.memory_space<hbm>>
      tpu.wait_dma2 semaphore(%arg12 : memref<!tpu.dma_semaphore, #tpu.memory_space<semaphore_mem>>) src(%dma_wait3A_65 : memref<4x128xi32, #tpu.memory_space<hbm>>) dst(%dma_wait3A_62 : memref<4x128xi32, #tpu.memory_space<vmem>>)
      %dma_start3A_66 = arith.constant 0 : i32
      %dma_start3A_67 = arith.constant 0 : i32
      %dma_start3A_68 = arith.constant 0 : i32
      %dma_start3A_69 = arith.constant 0 : i32
      %dma_start3A_70 = tpu.memref_slice %arg8[%dma_start3A_68, %dma_start3A_69] : memref<1024x32xf32, #tpu.memory_space<vmem>> -> memref<128x32xf32, #tpu.memory_space<vmem>>
      %dma_start3A_71 = arith.constant 0 : i32
      %dma_start3A_72 = tpu.memref_slice %arg7[%dma_start3A_66, %dma_start3A_67, %dma_start3A_71] : memref<2x4x128xi32, #tpu.memory_space<vmem>> -> memref<1x1x128xi32, #tpu.memory_space<vmem>>
      %dma_start3A_73 = tpu.memref_squeeze %dma_start3A_72 : memref<1x1x128xi32, #tpu.memory_space<vmem>> -> memref<128xi32, #tpu.memory_space<vmem>>
      %dma_start3A_74 = arith.constant 0 : i32
      %dma_start3A_75 = arith.constant 0 : i32
      %dma_start3A_76 = tpu.memref_slice %arg2[%dma_start3A_74, %dma_start3A_75] : memref<1000000x32xf32, #tpu.memory_space<hbm>> -> memref<1000000x32xf32, #tpu.memory_space<hbm>>
      tpu.enqueue_indirect_dma source(%dma_start3A_76 : memref<1000000x32xf32, #tpu.memory_space<hbm>>) target(%dma_start3A_70 : memref<128x32xf32, #tpu.memory_space<vmem>>) offsets(%dma_start3A_73 : memref<128xi32, #tpu.memory_space<vmem>>) semaphore(%arg13 : memref<!tpu.dma_semaphore, #tpu.memory_space<semaphore_mem>>)
      %dma_start3A_77 = arith.constant 0 : i32
      %dma_start3A_78 = arith.constant 1 : i32
      %dma_start3A_79 = arith.constant 128 : i32
      %dma_start3A_80 = arith.constant 0 : i32
      %dma_start3A_81 = tpu.memref_slice %arg8[%dma_start3A_79, %dma_start3A_80] : memref<1024x32xf32, #tpu.memory_space<vmem>> -> memref<128x32xf32, #tpu.memory_space<vmem>>
      %dma_start3A_82 = arith.constant 0 : i32
      %dma_start3A_83 = tpu.memref_slice %arg7[%dma_start3A_77, %dma_start3A_78, %dma_start3A_82] : memref<2x4x128xi32, #tpu.memory_space<vmem>> -> memref<1x1x128xi32, #tpu.memory_space<vmem>>
      %dma_start3A_84 = tpu.memref_squeeze %dma_start3A_83 : memref<1x1x128xi32, #tpu.memory_space<vmem>> -> memref<128xi32, #tpu.memory_space<vmem>>
      %dma_start3A_85 = arith.constant 0 : i32
      %dma_start3A_86 = arith.constant 0 : i32
      %dma_start3A_87 = tpu.memref_slice %arg2[%dma_start3A_85, %dma_start3A_86] : memref<1000000x32xf32, #tpu.memory_space<hbm>> -> memref<1000000x32xf32, #tpu.memory_space<hbm>>
      tpu.enqueue_indirect_dma source(%dma_start3A_87 : memref<1000000x32xf32, #tpu.memory_space<hbm>>) target(%dma_start3A_81 : memref<128x32xf32, #tpu.memory_space<vmem>>) offsets(%dma_start3A_84 : memref<128xi32, #tpu.memory_space<vmem>>) semaphore(%arg13 : memref<!tpu.dma_semaphore, #tpu.memory_space<semaphore_mem>>)
      %dma_start3A_88 = arith.constant 0 : i32
      %dma_start3A_89 = arith.constant 2 : i32
      %dma_start3A_90 = arith.constant 256 : i32
      %dma_start3A_91 = arith.constant 0 : i32
      %dma_start3A_92 = tpu.memref_slice %arg8[%dma_start3A_90, %dma_start3A_91] : memref<1024x32xf32, #tpu.memory_space<vmem>> -> memref<128x32xf32, #tpu.memory_space<vmem>>
      %dma_start3A_93 = arith.constant 0 : i32
      %dma_start3A_94 = tpu.memref_slice %arg7[%dma_start3A_88, %dma_start3A_89, %dma_start3A_93] : memref<2x4x128xi32, #tpu.memory_space<vmem>> -> memref<1x1x128xi32, #tpu.memory_space<vmem>>
      %dma_start3A_95 = tpu.memref_squeeze %dma_start3A_94 : memref<1x1x128xi32, #tpu.memory_space<vmem>> -> memref<128xi32, #tpu.memory_space<vmem>>
      %dma_start3A_96 = arith.constant 0 : i32
      %dma_start3A_97 = arith.constant 0 : i32
      %dma_start3A_98 = tpu.memref_slice %arg2[%dma_start3A_96, %dma_start3A_97] : memref<1000000x32xf32, #tpu.memory_space<hbm>> -> memref<1000000x32xf32, #tpu.memory_space<hbm>>
      tpu.enqueue_indirect_dma source(%dma_start3A_98 : memref<1000000x32xf32, #tpu.memory_space<hbm>>) target(%dma_start3A_92 : memref<128x32xf32, #tpu.memory_space<vmem>>) offsets(%dma_start3A_95 : memref<128xi32, #tpu.memory_space<vmem>>) semaphore(%arg13 : memref<!tpu.dma_semaphore, #tpu.memory_space<semaphore_mem>>)
      %dma_start3A_99 = arith.constant 0 : i32
      %dma_start3A_100 = arith.constant 3 : i32
      %dma_start3A_101 = arith.constant 384 : i32
      %dma_start3A_102 = arith.constant 0 : i32
      %dma_start3A_103 = tpu.memref_slice %arg8[%dma_start3A_101, %dma_start3A_102] : memref<1024x32xf32, #tpu.memory_space<vmem>> -> memref<128x32xf32, #tpu.memory_space<vmem>>
      %dma_start3A_104 = arith.constant 0 : i32
      %dma_start3A_105 = tpu.memref_slice %arg7[%dma_start3A_99, %dma_start3A_100, %dma_start3A_104] : memref<2x4x128xi32, #tpu.memory_space<vmem>> -> memref<1x1x128xi32, #tpu.memory_space<vmem>>
      %dma_start3A_106 = tpu.memref_squeeze %dma_start3A_105 : memref<1x1x128xi32, #tpu.memory_space<vmem>> -> memref<128xi32, #tpu.memory_space<vmem>>
      %dma_start3A_107 = arith.constant 0 : i32
      %dma_start3A_108 = arith.constant 0 : i32
      %dma_start3A_109 = tpu.memref_slice %arg2[%dma_start3A_107, %dma_start3A_108] : memref<1000000x32xf32, #tpu.memory_space<hbm>> -> memref<1000000x32xf32, #tpu.memory_space<hbm>>
      tpu.enqueue_indirect_dma source(%dma_start3A_109 : memref<1000000x32xf32, #tpu.memory_space<hbm>>) target(%dma_start3A_103 : memref<128x32xf32, #tpu.memory_space<vmem>>) offsets(%dma_start3A_106 : memref<128xi32, #tpu.memory_space<vmem>>) semaphore(%arg13 : memref<!tpu.dma_semaphore, #tpu.memory_space<semaphore_mem>>)
      %dma_wait3A_110 = arith.constant 1 : i32
      %dma_wait3A_111 = arith.constant 0 : i32
      %dma_wait3A_112 = arith.constant 0 : i32
      %dma_wait3A_113 = tpu.memref_slice %arg7[%dma_wait3A_110, %dma_wait3A_111, %dma_wait3A_112] : memref<2x4x128xi32, #tpu.memory_space<vmem>> -> memref<1x4x128xi32, #tpu.memory_space<vmem>>
      %dma_wait3A_114 = tpu.memref_squeeze %dma_wait3A_113 : memref<1x4x128xi32, #tpu.memory_space<vmem>> -> memref<4x128xi32, #tpu.memory_space<vmem>>
      %dma_wait3A_115 = arith.constant 0 : i32
      %dma_wait3A_116 = tpu.memref_slice %arg3[%add3A_36, %mul3A_2, %dma_wait3A_115] : memref<50x128x128xi32, #tpu.memory_space<hbm>> -> memref<1x4x128xi32, #tpu.memory_space<hbm>>
      %dma_wait3A_117 = tpu.memref_squeeze %dma_wait3A_116 : memref<1x4x128xi32, #tpu.memory_space<hbm>> -> memref<4x128xi32, #tpu.memory_space<hbm>>
      %dma_wait3A_118 = arith.constant 0 : i32
      %dma_wait3A_119 = arith.constant 0 : i32
      %dma_wait3A_120 = tpu.memref_slice %arg7[%dma_wait3A_110, %dma_wait3A_118, %dma_wait3A_119] : memref<2x4x128xi32, #tpu.memory_space<vmem>> -> memref<1x4x128xi32, #tpu.memory_space<vmem>>
      %dma_wait3A_121 = tpu.memref_squeeze %dma_wait3A_120 : memref<1x4x128xi32, #tpu.memory_space<vmem>> -> memref<4x128xi32, #tpu.memory_space<vmem>>
      %dma_wait3A_122 = arith.constant 0 : i32
      %dma_wait3A_123 = tpu.memref_slice %arg3[%add3A_36, %mul3A_2, %dma_wait3A_122] : memref<50x128x128xi32, #tpu.memory_space<hbm>> -> memref<1x4x128xi32, #tpu.memory_space<hbm>>
      %dma_wait3A_124 = tpu.memref_squeeze %dma_wait3A_123 : memref<1x4x128xi32, #tpu.memory_space<hbm>> -> memref<4x128xi32, #tpu.memory_space<hbm>>
      tpu.wait_dma2 semaphore(%arg12 : memref<!tpu.dma_semaphore, #tpu.memory_space<semaphore_mem>>) src(%dma_wait3A_124 : memref<4x128xi32, #tpu.memory_space<hbm>>) dst(%dma_wait3A_121 : memref<4x128xi32, #tpu.memory_space<vmem>>)
      %dma_start3A_125 = arith.constant 1 : i32
      %dma_start3A_126 = arith.constant 0 : i32
      %dma_start3A_127 = arith.constant 512 : i32
      %dma_start3A_128 = arith.constant 0 : i32
      %dma_start3A_129 = tpu.memref_slice %arg8[%dma_start3A_127, %dma_start3A_128] : memref<1024x32xf32, #tpu.memory_space<vmem>> -> memref<128x32xf32, #tpu.memory_space<vmem>>
      %dma_start3A_130 = arith.constant 0 : i32
      %dma_start3A_131 = tpu.memref_slice %arg7[%dma_start3A_125, %dma_start3A_126, %dma_start3A_130] : memref<2x4x128xi32, #tpu.memory_space<vmem>> -> memref<1x1x128xi32, #tpu.memory_space<vmem>>
      %dma_start3A_132 = tpu.memref_squeeze %dma_start3A_131 : memref<1x1x128xi32, #tpu.memory_space<vmem>> -> memref<128xi32, #tpu.memory_space<vmem>>
      %dma_start3A_133 = arith.constant 0 : i32
      %dma_start3A_134 = arith.constant 0 : i32
      %dma_start3A_135 = tpu.memref_slice %arg2[%dma_start3A_133, %dma_start3A_134] : memref<1000000x32xf32, #tpu.memory_space<hbm>> -> memref<1000000x32xf32, #tpu.memory_space<hbm>>
      tpu.enqueue_indirect_dma source(%dma_start3A_135 : memref<1000000x32xf32, #tpu.memory_space<hbm>>) target(%dma_start3A_129 : memref<128x32xf32, #tpu.memory_space<vmem>>) offsets(%dma_start3A_132 : memref<128xi32, #tpu.memory_space<vmem>>) semaphore(%arg13 : memref<!tpu.dma_semaphore, #tpu.memory_space<semaphore_mem>>)
      %dma_start3A_136 = arith.constant 1 : i32
      %dma_start3A_137 = arith.constant 1 : i32
      %dma_start3A_138 = arith.constant 640 : i32
      %dma_start3A_139 = arith.constant 0 : i32
      %dma_start3A_140 = tpu.memref_slice %arg8[%dma_start3A_138, %dma_start3A_139] : memref<1024x32xf32, #tpu.memory_space<vmem>> -> memref<128x32xf32, #tpu.memory_space<vmem>>
      %dma_start3A_141 = arith.constant 0 : i32
      %dma_start3A_142 = tpu.memref_slice %arg7[%dma_start3A_136, %dma_start3A_137, %dma_start3A_141] : memref<2x4x128xi32, #tpu.memory_space<vmem>> -> memref<1x1x128xi32, #tpu.memory_space<vmem>>
      %dma_start3A_143 = tpu.memref_squeeze %dma_start3A_142 : memref<1x1x128xi32, #tpu.memory_space<vmem>> -> memref<128xi32, #tpu.memory_space<vmem>>
      %dma_start3A_144 = arith.constant 0 : i32
      %dma_start3A_145 = arith.constant 0 : i32
      %dma_start3A_146 = tpu.memref_slice %arg2[%dma_start3A_144, %dma_start3A_145] : memref<1000000x32xf32, #tpu.memory_space<hbm>> -> memref<1000000x32xf32, #tpu.memory_space<hbm>>
      tpu.enqueue_indirect_dma source(%dma_start3A_146 : memref<1000000x32xf32, #tpu.memory_space<hbm>>) target(%dma_start3A_140 : memref<128x32xf32, #tpu.memory_space<vmem>>) offsets(%dma_start3A_143 : memref<128xi32, #tpu.memory_space<vmem>>) semaphore(%arg13 : memref<!tpu.dma_semaphore, #tpu.memory_space<semaphore_mem>>)
      %dma_start3A_147 = arith.constant 1 : i32
      %dma_start3A_148 = arith.constant 2 : i32
      %dma_start3A_149 = arith.constant 768 : i32
      %dma_start3A_150 = arith.constant 0 : i32
      %dma_start3A_151 = tpu.memref_slice %arg8[%dma_start3A_149, %dma_start3A_150] : memref<1024x32xf32, #tpu.memory_space<vmem>> -> memref<128x32xf32, #tpu.memory_space<vmem>>
      %dma_start3A_152 = arith.constant 0 : i32
      %dma_start3A_153 = tpu.memref_slice %arg7[%dma_start3A_147, %dma_start3A_148, %dma_start3A_152] : memref<2x4x128xi32, #tpu.memory_space<vmem>> -> memref<1x1x128xi32, #tpu.memory_space<vmem>>
      %dma_start3A_154 = tpu.memref_squeeze %dma_start3A_153 : memref<1x1x128xi32, #tpu.memory_space<vmem>> -> memref<128xi32, #tpu.memory_space<vmem>>
      %dma_start3A_155 = arith.constant 0 : i32
      %dma_start3A_156 = arith.constant 0 : i32
      %dma_start3A_157 = tpu.memref_slice %arg2[%dma_start3A_155, %dma_start3A_156] : memref<1000000x32xf32, #tpu.memory_space<hbm>> -> memref<1000000x32xf32, #tpu.memory_space<hbm>>
      tpu.enqueue_indirect_dma source(%dma_start3A_157 : memref<1000000x32xf32, #tpu.memory_space<hbm>>) target(%dma_start3A_151 : memref<128x32xf32, #tpu.memory_space<vmem>>) offsets(%dma_start3A_154 : memref<128xi32, #tpu.memory_space<vmem>>) semaphore(%arg13 : memref<!tpu.dma_semaphore, #tpu.memory_space<semaphore_mem>>)
      %dma_start3A_158 = arith.constant 1 : i32
      %dma_start3A_159 = arith.constant 3 : i32
      %dma_start3A_160 = arith.constant 896 : i32
      %dma_start3A_161 = arith.constant 0 : i32
      %dma_start3A_162 = tpu.memref_slice %arg8[%dma_start3A_160, %dma_start3A_161] : memref<1024x32xf32, #tpu.memory_space<vmem>> -> memref<128x32xf32, #tpu.memory_space<vmem>>
      %dma_start3A_163 = arith.constant 0 : i32
      %dma_start3A_164 = tpu.memref_slice %arg7[%dma_start3A_158, %dma_start3A_159, %dma_start3A_163] : memref<2x4x128xi32, #tpu.memory_space<vmem>> -> memref<1x1x128xi32, #tpu.memory_space<vmem>>
      %dma_start3A_165 = tpu.memref_squeeze %dma_start3A_164 : memref<1x1x128xi32, #tpu.memory_space<vmem>> -> memref<128xi32, #tpu.memory_space<vmem>>
      %dma_start3A_166 = arith.constant 0 : i32
      %dma_start3A_167 = arith.constant 0 : i32
      %dma_start3A_168 = tpu.memref_slice %arg2[%dma_start3A_166, %dma_start3A_167] : memref<1000000x32xf32, #tpu.memory_space<hbm>> -> memref<1000000x32xf32, #tpu.memory_space<hbm>>
      tpu.enqueue_indirect_dma source(%dma_start3A_168 : memref<1000000x32xf32, #tpu.memory_space<hbm>>) target(%dma_start3A_162 : memref<128x32xf32, #tpu.memory_space<vmem>>) offsets(%dma_start3A_165 : memref<128xi32, #tpu.memory_space<vmem>>) semaphore(%arg13 : memref<!tpu.dma_semaphore, #tpu.memory_space<semaphore_mem>>)
      %dma_wait3A_169 = arith.constant 0 : i32
      %dma_wait3A_170 = arith.constant 0 : i32
      %dma_wait3A_171 = arith.constant 0 : i32
      %dma_wait3A_172 = arith.constant 0 : i32
      %dma_wait3A_173 = tpu.memref_slice %arg8[%dma_wait3A_171, %dma_wait3A_172] : memref<1024x32xf32, #tpu.memory_space<vmem>> -> memref<128x32xf32, #tpu.memory_space<vmem>>
      %dma_wait3A_174 = arith.constant 0 : i32
      %dma_wait3A_175 = tpu.memref_slice %arg7[%dma_wait3A_169, %dma_wait3A_170, %dma_wait3A_174] : memref<2x4x128xi32, #tpu.memory_space<vmem>> -> memref<1x1x128xi32, #tpu.memory_space<vmem>>
      %dma_wait3A_176 = tpu.memref_squeeze %dma_wait3A_175 : memref<1x1x128xi32, #tpu.memory_space<vmem>> -> memref<128xi32, #tpu.memory_space<vmem>>
      %dma_wait3A_177 = arith.constant 0 : i32
      %dma_wait3A_178 = arith.constant 0 : i32
      %dma_wait3A_179 = tpu.memref_slice %arg2[%dma_wait3A_177, %dma_wait3A_178] : memref<1000000x32xf32, #tpu.memory_space<hbm>> -> memref<1000000x32xf32, #tpu.memory_space<hbm>>
      tpu.wait_indirect_dma semaphore(%arg13 : memref<!tpu.dma_semaphore, #tpu.memory_space<semaphore_mem>>) src(%dma_wait3A_179 : memref<1000000x32xf32, #tpu.memory_space<hbm>>) dst(%dma_wait3A_173 : memref<128x32xf32, #tpu.memory_space<vmem>>)
      %dma_wait3A_180 = arith.constant 0 : i32
      %dma_wait3A_181 = arith.constant 1 : i32
      %dma_wait3A_182 = arith.constant 128 : i32
      %dma_wait3A_183 = arith.constant 0 : i32
      %dma_wait3A_184 = tpu.memref_slice %arg8[%dma_wait3A_182, %dma_wait3A_183] : memref<1024x32xf32, #tpu.memory_space<vmem>> -> memref<128x32xf32, #tpu.memory_space<vmem>>
      %dma_wait3A_185 = arith.constant 0 : i32
      %dma_wait3A_186 = tpu.memref_slice %arg7[%dma_wait3A_180, %dma_wait3A_181, %dma_wait3A_185] : memref<2x4x128xi32, #tpu.memory_space<vmem>> -> memref<1x1x128xi32, #tpu.memory_space<vmem>>
      %dma_wait3A_187 = tpu.memref_squeeze %dma_wait3A_186 : memref<1x1x128xi32, #tpu.memory_space<vmem>> -> memref<128xi32, #tpu.memory_space<vmem>>
      %dma_wait3A_188 = arith.constant 0 : i32
      %dma_wait3A_189 = arith.constant 0 : i32
      %dma_wait3A_190 = tpu.memref_slice %arg2[%dma_wait3A_188, %dma_wait3A_189] : memref<1000000x32xf32, #tpu.memory_space<hbm>> -> memref<1000000x32xf32, #tpu.memory_space<hbm>>
      tpu.wait_indirect_dma semaphore(%arg13 : memref<!tpu.dma_semaphore, #tpu.memory_space<semaphore_mem>>) src(%dma_wait3A_190 : memref<1000000x32xf32, #tpu.memory_space<hbm>>) dst(%dma_wait3A_184 : memref<128x32xf32, #tpu.memory_space<vmem>>)
      %dma_wait3A_191 = arith.constant 0 : i32
      %dma_wait3A_192 = arith.constant 2 : i32
      %dma_wait3A_193 = arith.constant 256 : i32
      %dma_wait3A_194 = arith.constant 0 : i32
      %dma_wait3A_195 = tpu.memref_slice %arg8[%dma_wait3A_193, %dma_wait3A_194] : memref<1024x32xf32, #tpu.memory_space<vmem>> -> memref<128x32xf32, #tpu.memory_space<vmem>>
      %dma_wait3A_196 = arith.constant 0 : i32
      %dma_wait3A_197 = tpu.memref_slice %arg7[%dma_wait3A_191, %dma_wait3A_192, %dma_wait3A_196] : memref<2x4x128xi32, #tpu.memory_space<vmem>> -> memref<1x1x128xi32, #tpu.memory_space<vmem>>
      %dma_wait3A_198 = tpu.memref_squeeze %dma_wait3A_197 : memref<1x1x128xi32, #tpu.memory_space<vmem>> -> memref<128xi32, #tpu.memory_space<vmem>>
      %dma_wait3A_199 = arith.constant 0 : i32
      %dma_wait3A_200 = arith.constant 0 : i32
      %dma_wait3A_201 = tpu.memref_slice %arg2[%dma_wait3A_199, %dma_wait3A_200] : memref<1000000x32xf32, #tpu.memory_space<hbm>> -> memref<1000000x32xf32, #tpu.memory_space<hbm>>
      tpu.wait_indirect_dma semaphore(%arg13 : memref<!tpu.dma_semaphore, #tpu.memory_space<semaphore_mem>>) src(%dma_wait3A_201 : memref<1000000x32xf32, #tpu.memory_space<hbm>>) dst(%dma_wait3A_195 : memref<128x32xf32, #tpu.memory_space<vmem>>)
      %dma_wait3A_202 = arith.constant 0 : i32
      %dma_wait3A_203 = arith.constant 3 : i32
      %dma_wait3A_204 = arith.constant 384 : i32
      %dma_wait3A_205 = arith.constant 0 : i32
      %dma_wait3A_206 = tpu.memref_slice %arg8[%dma_wait3A_204, %dma_wait3A_205] : memref<1024x32xf32, #tpu.memory_space<vmem>> -> memref<128x32xf32, #tpu.memory_space<vmem>>
      %dma_wait3A_207 = arith.constant 0 : i32
      %dma_wait3A_208 = tpu.memref_slice %arg7[%dma_wait3A_202, %dma_wait3A_203, %dma_wait3A_207] : memref<2x4x128xi32, #tpu.memory_space<vmem>> -> memref<1x1x128xi32, #tpu.memory_space<vmem>>
      %dma_wait3A_209 = tpu.memref_squeeze %dma_wait3A_208 : memref<1x1x128xi32, #tpu.memory_space<vmem>> -> memref<128xi32, #tpu.memory_space<vmem>>
      %dma_wait3A_210 = arith.constant 0 : i32
      %dma_wait3A_211 = arith.constant 0 : i32
      %dma_wait3A_212 = tpu.memref_slice %arg2[%dma_wait3A_210, %dma_wait3A_211] : memref<1000000x32xf32, #tpu.memory_space<hbm>> -> memref<1000000x32xf32, #tpu.memory_space<hbm>>
      tpu.wait_indirect_dma semaphore(%arg13 : memref<!tpu.dma_semaphore, #tpu.memory_space<semaphore_mem>>) src(%dma_wait3A_212 : memref<1000000x32xf32, #tpu.memory_space<hbm>>) dst(%dma_wait3A_206 : memref<128x32xf32, #tpu.memory_space<vmem>>)
      %scan3A_213 = arith.constant 0 : i32
      %scan3A_214 = arith.constant 32 : i32
      %scan3A_215 = arith.addi %scan3A_213, %scan3A_214 : i32
      %scan3A_216 = arith.constant 1 : i32
      scf.for %scan3A_429 = %scan3A_213 to %scan3A_215 step %scan3A_216  : i32 {
        %mul3A_430 = arith.constant 1 : i32
        %mul3A_431 = arith.muli %scan3A_429, %mul3A_430 : i32
        %add3A_432 = arith.constant 0 : i32
        %add3A_433 = arith.addi %add3A_432, %mul3A_431 : i32
        %mul3A_434 = arith.constant 16 : i32
        %mul3A_435 = arith.muli %add3A_433, %mul3A_434 : i32
        %add3A_436 = arith.constant 0 : i32
        %add3A_437 = arith.addi %add3A_436, %mul3A_435 : i32
        %add3A_438 = vector.broadcast %add3A_437 : i32 to vector<16xi32>
        %add3A_439 = arith.addi %iota3A, %add3A_438 : vector<16xi32>
        %jit3A = arith.constant 8 : i32
        %div3A = arith.divsi %add3A_433, %jit3A : i32
        %sign3A = arith.constant 0 : i32
        %sign3A_440 = arith.cmpi sgt, %add3A_433, %sign3A : i32
        %sign3A_441 = arith.extui %sign3A_440 : i1 to i32
        %sign3A_442 = arith.constant 0 : i32
        %sign3A_443 = arith.cmpi slt, %add3A_433, %sign3A_442 : i32
        %sign3A_444 = arith.extui %sign3A_443 : i1 to i32
        %sign3A_445 = arith.subi %sign3A_441, %sign3A_444 : i32
        %sign3A_446 = arith.constant 0 : i32
        %sign3A_447 = arith.cmpi sgt, %jit3A, %sign3A_446 : i32
        %sign3A_448 = arith.extui %sign3A_447 : i1 to i32
        %sign3A_449 = arith.constant 0 : i32
        %sign3A_450 = arith.cmpi slt, %jit3A, %sign3A_449 : i32
        %sign3A_451 = arith.extui %sign3A_450 : i1 to i32
        %sign3A_452 = arith.subi %sign3A_448, %sign3A_451 : i32
        %ne3A = arith.cmpi ne, %sign3A_445, %sign3A_452 : i32
        %rem3A = arith.remsi %add3A_433, %jit3A : i32
        %ne3A_453 = arith.constant 0 : i32
        %ne3A_454 = arith.cmpi ne, %rem3A, %ne3A_453 : i32
        %and3A = arith.andi %ne3A, %ne3A_454 : i1
        %sub3A = arith.constant 1 : i32
        %sub3A_455 = arith.subi %div3A, %sub3A : i32
        %select_n3A = arith.select %and3A, %sub3A_455, %div3A : i32
        %mul3A_456 = arith.constant 1024 : i32
        %mul3A_457 = arith.muli %select_n3A, %mul3A_456 : i32
        %add3A_458 = arith.constant 0 : i32
        %add3A_459 = arith.addi %add3A_458, %mul3A_457 : i32
        %jit3A_460 = arith.constant 8 : i32
        %eq3A = arith.constant 0 : i32
        %eq3A_461 = arith.cmpi eq, %jit3A_460, %eq3A : i32
        %jit3A_462 = arith.constant 1 : i32
        %select_n3A_463 = arith.select %eq3A_461, %jit3A_462, %jit3A_460 : i32
        %rem3A_464 = arith.remsi %add3A_433, %select_n3A_463 : i32
        %ne3A_465 = arith.constant 0 : i32
        %ne3A_466 = arith.cmpi ne, %rem3A_464, %ne3A_465 : i32
        %lt3A = arith.constant 0 : i32
        %lt3A_467 = arith.cmpi slt, %rem3A_464, %lt3A : i32
        %lt3A_468 = arith.constant 0 : i32
        %lt3A_469 = arith.cmpi slt, %select_n3A_463, %lt3A_468 : i32
        %ne3A_470 = arith.xori %lt3A_467, %lt3A_469 : i1
        %and3A_471 = arith.andi %ne3A_470, %ne3A_466 : i1
        %add3A_472 = arith.addi %rem3A_464, %select_n3A_463 : i32
        %select_n3A_473 = arith.select %and3A_471, %add3A_472, %rem3A_464 : i32
        %mul3A_474 = arith.constant 16 : i32
        %mul3A_475 = arith.muli %select_n3A_473, %mul3A_474 : i32
        %add3A_476 = arith.addi %add3A_459, %mul3A_475 : i32
        %get3A_477 = arith.constant 0 : i32
        %get3A_478 = arith.index_cast %get3A_477 : i32 to index
        %get3A_479 = arith.constant 0 : index
        %get3A_480 = tpu.vector_load %arg11[%get3A_478, %get3A_479] {strides = array<i32>} : memref<64x16xi32, #tpu.memory_space<vmem>>, vector<16xi32>,
        %gather3A = tpu.vector_load_idx %arg8[%add3A_439, %get3A_480] : memref<1024x32xf32, #tpu.memory_space<vmem>>[vector<16xi32>, vector<16xi32>], vector<16xf32>,
        %get3A_481 = arith.constant 32 : i32
        %get3A_482 = arith.index_cast %get3A_481 : i32 to index
        %get3A_483 = arith.constant 0 : index
        %get3A_484 = tpu.vector_load %arg11[%get3A_482, %get3A_483] {strides = array<i32>} : memref<64x16xi32, #tpu.memory_space<vmem>>, vector<16xi32>,
        %add3A_485 = vector.broadcast %add3A_476 : i32 to vector<16xi32>
        %add3A_486 = arith.addi %get3A_484, %add3A_485 : vector<16xi32>
        %mul3A_487 = arith.mulf %gather3A, %get3A_5 : vector<16xf32>
        %add3A_488 = arith.addf %mul3A_487, %get3A_9 : vector<16xf32>
        tpu.vector_store_idx %arg9[%add3A_486], %add3A_488 : memref<32768xf32, #tpu.memory_space<vmem>>[vector<16xi32>], vector<16xf32>,
        %get3A_489 = arith.constant 1 : i32
        %get3A_490 = arith.index_cast %get3A_489 : i32 to index
        %get3A_491 = arith.constant 0 : index
        %get3A_492 = tpu.vector_load %arg11[%get3A_490, %get3A_491] {strides = array<i32>} : memref<64x16xi32, #tpu.memory_space<vmem>>, vector<16xi32>,
        %gather3A_493 = tpu.vector_load_idx %arg8[%add3A_439, %get3A_492] : memref<1024x32xf32, #tpu.memory_space<vmem>>[vector<16xi32>, vector<16xi32>], vector<16xf32>,
        %get3A_494 = arith.constant 33 : i32
        %get3A_495 = arith.index_cast %get3A_494 : i32 to index
        %get3A_496 = arith.constant 0 : index
        %get3A_497 = tpu.vector_load %arg11[%get3A_495, %get3A_496] {strides = array<i32>} : memref<64x16xi32, #tpu.memory_space<vmem>>, vector<16xi32>,
        %add3A_498 = vector.broadcast %add3A_476 : i32 to vector<16xi32>
        %add3A_499 = arith.addi %get3A_497, %add3A_498 : vector<16xi32>
        %mul3A_500 = arith.mulf %gather3A_493, %get3A_5 : vector<16xf32>
        %add3A_501 = arith.addf %mul3A_500, %get3A_9 : vector<16xf32>
        tpu.vector_store_idx %arg9[%add3A_499], %add3A_501 : memref<32768xf32, #tpu.memory_space<vmem>>[vector<16xi32>], vector<16xf32>,
        %get3A_502 = arith.constant 2 : i32
        %get3A_503 = arith.index_cast %get3A_502 : i32 to index
        %get3A_504 = arith.constant 0 : index
        %get3A_505 = tpu.vector_load %arg11[%get3A_503, %get3A_504] {strides = array<i32>} : memref<64x16xi32, #tpu.memory_space<vmem>>, vector<16xi32>,
        %gather3A_506 = tpu.vector_load_idx %arg8[%add3A_439, %get3A_505] : memref<1024x32xf32, #tpu.memory_space<vmem>>[vector<16xi32>, vector<16xi32>], vector<16xf32>,
        %get3A_507 = arith.constant 34 : i32
        %get3A_508 = arith.index_cast %get3A_507 : i32 to index
        %get3A_509 = arith.constant 0 : index
        %get3A_510 = tpu.vector_load %arg11[%get3A_508, %get3A_509] {strides = array<i32>} : memref<64x16xi32, #tpu.memory_space<vmem>>, vector<16xi32>,
        %add3A_511 = vector.broadcast %add3A_476 : i32 to vector<16xi32>
        %add3A_512 = arith.addi %get3A_510, %add3A_511 : vector<16xi32>
        %mul3A_513 = arith.mulf %gather3A_506, %get3A_5 : vector<16xf32>
        %add3A_514 = arith.addf %mul3A_513, %get3A_9 : vector<16xf32>
        tpu.vector_store_idx %arg9[%add3A_512], %add3A_514 : memref<32768xf32, #tpu.memory_space<vmem>>[vector<16xi32>], vector<16xf32>,
        %get3A_515 = arith.constant 3 : i32
        %get3A_516 = arith.index_cast %get3A_515 : i32 to index
        %get3A_517 = arith.constant 0 : index
        %get3A_518 = tpu.vector_load %arg11[%get3A_516, %get3A_517] {strides = array<i32>} : memref<64x16xi32, #tpu.memory_space<vmem>>, vector<16xi32>,
        %gather3A_519 = tpu.vector_load_idx %arg8[%add3A_439, %get3A_518] : memref<1024x32xf32, #tpu.memory_space<vmem>>[vector<16xi32>, vector<16xi32>], vector<16xf32>,
        %get3A_520 = arith.constant 35 : i32
        %get3A_521 = arith.index_cast %get3A_520 : i32 to index
        %get3A_522 = arith.constant 0 : index
        %get3A_523 = tpu.vector_load %arg11[%get3A_521, %get3A_522] {strides = array<i32>} : memref<64x16xi32, #tpu.memory_space<vmem>>, vector<16xi32>,
        %add3A_524 = vector.broadcast %add3A_476 : i32 to vector<16xi32>
        %add3A_525 = arith.addi %get3A_523, %add3A_524 : vector<16xi32>
        %mul3A_526 = arith.mulf %gather3A_519, %get3A_5 : vector<16xf32>
        %add3A_527 = arith.addf %mul3A_526, %get3A_9 : vector<16xf32>
        tpu.vector_store_idx %arg9[%add3A_525], %add3A_527 : memref<32768xf32, #tpu.memory_space<vmem>>[vector<16xi32>], vector<16xf32>,
        %get3A_528 = arith.constant 4 : i32
        %get3A_529 = arith.index_cast %get3A_528 : i32 to index
        %get3A_530 = arith.constant 0 : index
        %get3A_531 = tpu.vector_load %arg11[%get3A_529, %get3A_530] {strides = array<i32>} : memref<64x16xi32, #tpu.memory_space<vmem>>, vector<16xi32>,
        %gather3A_532 = tpu.vector_load_idx %arg8[%add3A_439, %get3A_531] : memref<1024x32xf32, #tpu.memory_space<vmem>>[vector<16xi32>, vector<16xi32>], vector<16xf32>,
        %get3A_533 = arith.constant 36 : i32
        %get3A_534 = arith.index_cast %get3A_533 : i32 to index
        %get3A_535 = arith.constant 0 : index
        %get3A_536 = tpu.vector_load %arg11[%get3A_534, %get3A_535] {strides = array<i32>} : memref<64x16xi32, #tpu.memory_space<vmem>>, vector<16xi32>,
        %add3A_537 = vector.broadcast %add3A_476 : i32 to vector<16xi32>
        %add3A_538 = arith.addi %get3A_536, %add3A_537 : vector<16xi32>
        %mul3A_539 = arith.mulf %gather3A_532, %get3A_5 : vector<16xf32>
        %add3A_540 = arith.addf %mul3A_539, %get3A_9 : vector<16xf32>
        tpu.vector_store_idx %arg9[%add3A_538], %add3A_540 : memref<32768xf32, #tpu.memory_space<vmem>>[vector<16xi32>], vector<16xf32>,
        %get3A_541 = arith.constant 5 : i32
        %get3A_542 = arith.index_cast %get3A_541 : i32 to index
        %get3A_543 = arith.constant 0 : index
        %get3A_544 = tpu.vector_load %arg11[%get3A_542, %get3A_543] {strides = array<i32>} : memref<64x16xi32, #tpu.memory_space<vmem>>, vector<16xi32>,
        %gather3A_545 = tpu.vector_load_idx %arg8[%add3A_439, %get3A_544] : memref<1024x32xf32, #tpu.memory_space<vmem>>[vector<16xi32>, vector<16xi32>], vector<16xf32>,
        %get3A_546 = arith.constant 37 : i32
        %get3A_547 = arith.index_cast %get3A_546 : i32 to index
        %get3A_548 = arith.constant 0 : index
        %get3A_549 = tpu.vector_load %arg11[%get3A_547, %get3A_548] {strides = array<i32>} : memref<64x16xi32, #tpu.memory_space<vmem>>, vector<16xi32>,
        %add3A_550 = vector.broadcast %add3A_476 : i32 to vector<16xi32>
        %add3A_551 = arith.addi %get3A_549, %add3A_550 : vector<16xi32>
        %mul3A_552 = arith.mulf %gather3A_545, %get3A_5 : vector<16xf32>
        %add3A_553 = arith.addf %mul3A_552, %get3A_9 : vector<16xf32>
        tpu.vector_store_idx %arg9[%add3A_551], %add3A_553 : memref<32768xf32, #tpu.memory_space<vmem>>[vector<16xi32>], vector<16xf32>,
        %get3A_554 = arith.constant 6 : i32
        %get3A_555 = arith.index_cast %get3A_554 : i32 to index
        %get3A_556 = arith.constant 0 : index
        %get3A_557 = tpu.vector_load %arg11[%get3A_555, %get3A_556] {strides = array<i32>} : memref<64x16xi32, #tpu.memory_space<vmem>>, vector<16xi32>,
        %gather3A_558 = tpu.vector_load_idx %arg8[%add3A_439, %get3A_557] : memref<1024x32xf32, #tpu.memory_space<vmem>>[vector<16xi32>, vector<16xi32>], vector<16xf32>,
        %get3A_559 = arith.constant 38 : i32
        %get3A_560 = arith.index_cast %get3A_559 : i32 to index
        %get3A_561 = arith.constant 0 : index
        %get3A_562 = tpu.vector_load %arg11[%get3A_560, %get3A_561] {strides = array<i32>} : memref<64x16xi32, #tpu.memory_space<vmem>>, vector<16xi32>,
        %add3A_563 = vector.broadcast %add3A_476 : i32 to vector<16xi32>
        %add3A_564 = arith.addi %get3A_562, %add3A_563 : vector<16xi32>
        %mul3A_565 = arith.mulf %gather3A_558, %get3A_5 : vector<16xf32>
        %add3A_566 = arith.addf %mul3A_565, %get3A_9 : vector<16xf32>
        tpu.vector_store_idx %arg9[%add3A_564], %add3A_566 : memref<32768xf32, #tpu.memory_space<vmem>>[vector<16xi32>], vector<16xf32>,
        %get3A_567 = arith.constant 7 : i32
        %get3A_568 = arith.index_cast %get3A_567 : i32 to index
        %get3A_569 = arith.constant 0 : index
        %get3A_570 = tpu.vector_load %arg11[%get3A_568, %get3A_569] {strides = array<i32>} : memref<64x16xi32, #tpu.memory_space<vmem>>, vector<16xi32>,
        %gather3A_571 = tpu.vector_load_idx %arg8[%add3A_439, %get3A_570] : memref<1024x32xf32, #tpu.memory_space<vmem>>[vector<16xi32>, vector<16xi32>], vector<16xf32>,
        %get3A_572 = arith.constant 39 : i32
        %get3A_573 = arith.index_cast %get3A_572 : i32 to index
        %get3A_574 = arith.constant 0 : index
        %get3A_575 = tpu.vector_load %arg11[%get3A_573, %get3A_574] {strides = array<i32>} : memref<64x16xi32, #tpu.memory_space<vmem>>, vector<16xi32>,
        %add3A_576 = vector.broadcast %add3A_476 : i32 to vector<16xi32>
        %add3A_577 = arith.addi %get3A_575, %add3A_576 : vector<16xi32>
        %mul3A_578 = arith.mulf %gather3A_571, %get3A_5 : vector<16xf32>
        %add3A_579 = arith.addf %mul3A_578, %get3A_9 : vector<16xf32>
        tpu.vector_store_idx %arg9[%add3A_577], %add3A_579 : memref<32768xf32, #tpu.memory_space<vmem>>[vector<16xi32>], vector<16xf32>,
        %get3A_580 = arith.constant 8 : i32
        %get3A_581 = arith.index_cast %get3A_580 : i32 to index
        %get3A_582 = arith.constant 0 : index
        %get3A_583 = tpu.vector_load %arg11[%get3A_581, %get3A_582] {strides = array<i32>} : memref<64x16xi32, #tpu.memory_space<vmem>>, vector<16xi32>,
        %gather3A_584 = tpu.vector_load_idx %arg8[%add3A_439, %get3A_583] : memref<1024x32xf32, #tpu.memory_space<vmem>>[vector<16xi32>, vector<16xi32>], vector<16xf32>,
        %get3A_585 = arith.constant 40 : i32
        %get3A_586 = arith.index_cast %get3A_585 : i32 to index
        %get3A_587 = arith.constant 0 : index
        %get3A_588 = tpu.vector_load %arg11[%get3A_586, %get3A_587] {strides = array<i32>} : memref<64x16xi32, #tpu.memory_space<vmem>>, vector<16xi32>,
        %add3A_589 = vector.broadcast %add3A_476 : i32 to vector<16xi32>
        %add3A_590 = arith.addi %get3A_588, %add3A_589 : vector<16xi32>
        %mul3A_591 = arith.mulf %gather3A_584, %get3A_5 : vector<16xf32>
        %add3A_592 = arith.addf %mul3A_591, %get3A_9 : vector<16xf32>
        tpu.vector_store_idx %arg9[%add3A_590], %add3A_592 : memref<32768xf32, #tpu.memory_space<vmem>>[vector<16xi32>], vector<16xf32>,
        %get3A_593 = arith.constant 9 : i32
        %get3A_594 = arith.index_cast %get3A_593 : i32 to index
        %get3A_595 = arith.constant 0 : index
        %get3A_596 = tpu.vector_load %arg11[%get3A_594, %get3A_595] {strides = array<i32>} : memref<64x16xi32, #tpu.memory_space<vmem>>, vector<16xi32>,
        %gather3A_597 = tpu.vector_load_idx %arg8[%add3A_439, %get3A_596] : memref<1024x32xf32, #tpu.memory_space<vmem>>[vector<16xi32>, vector<16xi32>], vector<16xf32>,
        %get3A_598 = arith.constant 41 : i32
        %get3A_599 = arith.index_cast %get3A_598 : i32 to index
        %get3A_600 = arith.constant 0 : index
        %get3A_601 = tpu.vector_load %arg11[%get3A_599, %get3A_600] {strides = array<i32>} : memref<64x16xi32, #tpu.memory_space<vmem>>, vector<16xi32>,
        %add3A_602 = vector.broadcast %add3A_476 : i32 to vector<16xi32>
        %add3A_603 = arith.addi %get3A_601, %add3A_602 : vector<16xi32>
        %mul3A_604 = arith.mulf %gather3A_597, %get3A_5 : vector<16xf32>
        %add3A_605 = arith.addf %mul3A_604, %get3A_9 : vector<16xf32>
        tpu.vector_store_idx %arg9[%add3A_603], %add3A_605 : memref<32768xf32, #tpu.memory_space<vmem>>[vector<16xi32>], vector<16xf32>,
        %get3A_606 = arith.constant 10 : i32
        %get3A_607 = arith.index_cast %get3A_606 : i32 to index
        %get3A_608 = arith.constant 0 : index
        %get3A_609 = tpu.vector_load %arg11[%get3A_607, %get3A_608] {strides = array<i32>} : memref<64x16xi32, #tpu.memory_space<vmem>>, vector<16xi32>,
        %gather3A_610 = tpu.vector_load_idx %arg8[%add3A_439, %get3A_609] : memref<1024x32xf32, #tpu.memory_space<vmem>>[vector<16xi32>, vector<16xi32>], vector<16xf32>,
        %get3A_611 = arith.constant 42 : i32
        %get3A_612 = arith.index_cast %get3A_611 : i32 to index
        %get3A_613 = arith.constant 0 : index
        %get3A_614 = tpu.vector_load %arg11[%get3A_612, %get3A_613] {strides = array<i32>} : memref<64x16xi32, #tpu.memory_space<vmem>>, vector<16xi32>,
        %add3A_615 = vector.broadcast %add3A_476 : i32 to vector<16xi32>
        %add3A_616 = arith.addi %get3A_614, %add3A_615 : vector<16xi32>
        %mul3A_617 = arith.mulf %gather3A_610, %get3A_5 : vector<16xf32>
        %add3A_618 = arith.addf %mul3A_617, %get3A_9 : vector<16xf32>
        tpu.vector_store_idx %arg9[%add3A_616], %add3A_618 : memref<32768xf32, #tpu.memory_space<vmem>>[vector<16xi32>], vector<16xf32>,
        %get3A_619 = arith.constant 11 : i32
        %get3A_620 = arith.index_cast %get3A_619 : i32 to index
        %get3A_621 = arith.constant 0 : index
        %get3A_622 = tpu.vector_load %arg11[%get3A_620, %get3A_621] {strides = array<i32>} : memref<64x16xi32, #tpu.memory_space<vmem>>, vector<16xi32>,
        %gather3A_623 = tpu.vector_load_idx %arg8[%add3A_439, %get3A_622] : memref<1024x32xf32, #tpu.memory_space<vmem>>[vector<16xi32>, vector<16xi32>], vector<16xf32>,
        %get3A_624 = arith.constant 43 : i32
        %get3A_625 = arith.index_cast %get3A_624 : i32 to index
        %get3A_626 = arith.constant 0 : index
        %get3A_627 = tpu.vector_load %arg11[%get3A_625, %get3A_626] {strides = array<i32>} : memref<64x16xi32, #tpu.memory_space<vmem>>, vector<16xi32>,
        %add3A_628 = vector.broadcast %add3A_476 : i32 to vector<16xi32>
        %add3A_629 = arith.addi %get3A_627, %add3A_628 : vector<16xi32>
        %mul3A_630 = arith.mulf %gather3A_623, %get3A_5 : vector<16xf32>
        %add3A_631 = arith.addf %mul3A_630, %get3A_9 : vector<16xf32>
        tpu.vector_store_idx %arg9[%add3A_629], %add3A_631 : memref<32768xf32, #tpu.memory_space<vmem>>[vector<16xi32>], vector<16xf32>,
        %get3A_632 = arith.constant 12 : i32
        %get3A_633 = arith.index_cast %get3A_632 : i32 to index
        %get3A_634 = arith.constant 0 : index
        %get3A_635 = tpu.vector_load %arg11[%get3A_633, %get3A_634] {strides = array<i32>} : memref<64x16xi32, #tpu.memory_space<vmem>>, vector<16xi32>,
        %gather3A_636 = tpu.vector_load_idx %arg8[%add3A_439, %get3A_635] : memref<1024x32xf32, #tpu.memory_space<vmem>>[vector<16xi32>, vector<16xi32>], vector<16xf32>,
        %get3A_637 = arith.constant 44 : i32
        %get3A_638 = arith.index_cast %get3A_637 : i32 to index
        %get3A_639 = arith.constant 0 : index
        %get3A_640 = tpu.vector_load %arg11[%get3A_638, %get3A_639] {strides = array<i32>} : memref<64x16xi32, #tpu.memory_space<vmem>>, vector<16xi32>,
        %add3A_641 = vector.broadcast %add3A_476 : i32 to vector<16xi32>
        %add3A_642 = arith.addi %get3A_640, %add3A_641 : vector<16xi32>
        %mul3A_643 = arith.mulf %gather3A_636, %get3A_5 : vector<16xf32>
        %add3A_644 = arith.addf %mul3A_643, %get3A_9 : vector<16xf32>
        tpu.vector_store_idx %arg9[%add3A_642], %add3A_644 : memref<32768xf32, #tpu.memory_space<vmem>>[vector<16xi32>], vector<16xf32>,
        %get3A_645 = arith.constant 13 : i32
        %get3A_646 = arith.index_cast %get3A_645 : i32 to index
        %get3A_647 = arith.constant 0 : index
        %get3A_648 = tpu.vector_load %arg11[%get3A_646, %get3A_647] {strides = array<i32>} : memref<64x16xi32, #tpu.memory_space<vmem>>, vector<16xi32>,
        %gather3A_649 = tpu.vector_load_idx %arg8[%add3A_439, %get3A_648] : memref<1024x32xf32, #tpu.memory_space<vmem>>[vector<16xi32>, vector<16xi32>], vector<16xf32>,
        %get3A_650 = arith.constant 45 : i32
        %get3A_651 = arith.index_cast %get3A_650 : i32 to index
        %get3A_652 = arith.constant 0 : index
        %get3A_653 = tpu.vector_load %arg11[%get3A_651, %get3A_652] {strides = array<i32>} : memref<64x16xi32, #tpu.memory_space<vmem>>, vector<16xi32>,
        %add3A_654 = vector.broadcast %add3A_476 : i32 to vector<16xi32>
        %add3A_655 = arith.addi %get3A_653, %add3A_654 : vector<16xi32>
        %mul3A_656 = arith.mulf %gather3A_649, %get3A_5 : vector<16xf32>
        %add3A_657 = arith.addf %mul3A_656, %get3A_9 : vector<16xf32>
        tpu.vector_store_idx %arg9[%add3A_655], %add3A_657 : memref<32768xf32, #tpu.memory_space<vmem>>[vector<16xi32>], vector<16xf32>,
        %get3A_658 = arith.constant 14 : i32
        %get3A_659 = arith.index_cast %get3A_658 : i32 to index
        %get3A_660 = arith.constant 0 : index
        %get3A_661 = tpu.vector_load %arg11[%get3A_659, %get3A_660] {strides = array<i32>} : memref<64x16xi32, #tpu.memory_space<vmem>>, vector<16xi32>,
        %gather3A_662 = tpu.vector_load_idx %arg8[%add3A_439, %get3A_661] : memref<1024x32xf32, #tpu.memory_space<vmem>>[vector<16xi32>, vector<16xi32>], vector<16xf32>,
        %get3A_663 = arith.constant 46 : i32
        %get3A_664 = arith.index_cast %get3A_663 : i32 to index
        %get3A_665 = arith.constant 0 : index
        %get3A_666 = tpu.vector_load %arg11[%get3A_664, %get3A_665] {strides = array<i32>} : memref<64x16xi32, #tpu.memory_space<vmem>>, vector<16xi32>,
        %add3A_667 = vector.broadcast %add3A_476 : i32 to vector<16xi32>
        %add3A_668 = arith.addi %get3A_666, %add3A_667 : vector<16xi32>
        %mul3A_669 = arith.mulf %gather3A_662, %get3A_5 : vector<16xf32>
        %add3A_670 = arith.addf %mul3A_669, %get3A_9 : vector<16xf32>
        tpu.vector_store_idx %arg9[%add3A_668], %add3A_670 : memref<32768xf32, #tpu.memory_space<vmem>>[vector<16xi32>], vector<16xf32>,
        %get3A_671 = arith.constant 15 : i32
        %get3A_672 = arith.index_cast %get3A_671 : i32 to index
        %get3A_673 = arith.constant 0 : index
        %get3A_674 = tpu.vector_load %arg11[%get3A_672, %get3A_673] {strides = array<i32>} : memref<64x16xi32, #tpu.memory_space<vmem>>, vector<16xi32>,
        %gather3A_675 = tpu.vector_load_idx %arg8[%add3A_439, %get3A_674] : memref<1024x32xf32, #tpu.memory_space<vmem>>[vector<16xi32>, vector<16xi32>], vector<16xf32>,
        %get3A_676 = arith.constant 47 : i32
        %get3A_677 = arith.index_cast %get3A_676 : i32 to index
        %get3A_678 = arith.constant 0 : index
        %get3A_679 = tpu.vector_load %arg11[%get3A_677, %get3A_678] {strides = array<i32>} : memref<64x16xi32, #tpu.memory_space<vmem>>, vector<16xi32>,
        %add3A_680 = vector.broadcast %add3A_476 : i32 to vector<16xi32>
        %add3A_681 = arith.addi %get3A_679, %add3A_680 : vector<16xi32>
        %mul3A_682 = arith.mulf %gather3A_675, %get3A_5 : vector<16xf32>
        %add3A_683 = arith.addf %mul3A_682, %get3A_9 : vector<16xf32>
        tpu.vector_store_idx %arg9[%add3A_681], %add3A_683 : memref<32768xf32, #tpu.memory_space<vmem>>[vector<16xi32>], vector<16xf32>,
        %get3A_684 = arith.constant 16 : i32
        %get3A_685 = arith.index_cast %get3A_684 : i32 to index
        %get3A_686 = arith.constant 0 : index
        %get3A_687 = tpu.vector_load %arg11[%get3A_685, %get3A_686] {strides = array<i32>} : memref<64x16xi32, #tpu.memory_space<vmem>>, vector<16xi32>,
        %gather3A_688 = tpu.vector_load_idx %arg8[%add3A_439, %get3A_687] : memref<1024x32xf32, #tpu.memory_space<vmem>>[vector<16xi32>, vector<16xi32>], vector<16xf32>,
        %get3A_689 = arith.constant 48 : i32
        %get3A_690 = arith.index_cast %get3A_689 : i32 to index
        %get3A_691 = arith.constant 0 : index
        %get3A_692 = tpu.vector_load %arg11[%get3A_690, %get3A_691] {strides = array<i32>} : memref<64x16xi32, #tpu.memory_space<vmem>>, vector<16xi32>,
        %add3A_693 = vector.broadcast %add3A_476 : i32 to vector<16xi32>
        %add3A_694 = arith.addi %get3A_692, %add3A_693 : vector<16xi32>
        %mul3A_695 = arith.mulf %gather3A_688, %get3A_5 : vector<16xf32>
        %add3A_696 = arith.addf %mul3A_695, %get3A_9 : vector<16xf32>
        tpu.vector_store_idx %arg9[%add3A_694], %add3A_696 : memref<32768xf32, #tpu.memory_space<vmem>>[vector<16xi32>], vector<16xf32>,
        %get3A_697 = arith.constant 17 : i32
        %get3A_698 = arith.index_cast %get3A_697 : i32 to index
        %get3A_699 = arith.constant 0 : index
        %get3A_700 = tpu.vector_load %arg11[%get3A_698, %get3A_699] {strides = array<i32>} : memref<64x16xi32, #tpu.memory_space<vmem>>, vector<16xi32>,
        %gather3A_701 = tpu.vector_load_idx %arg8[%add3A_439, %get3A_700] : memref<1024x32xf32, #tpu.memory_space<vmem>>[vector<16xi32>, vector<16xi32>], vector<16xf32>,
        %get3A_702 = arith.constant 49 : i32
        %get3A_703 = arith.index_cast %get3A_702 : i32 to index
        %get3A_704 = arith.constant 0 : index
        %get3A_705 = tpu.vector_load %arg11[%get3A_703, %get3A_704] {strides = array<i32>} : memref<64x16xi32, #tpu.memory_space<vmem>>, vector<16xi32>,
        %add3A_706 = vector.broadcast %add3A_476 : i32 to vector<16xi32>
        %add3A_707 = arith.addi %get3A_705, %add3A_706 : vector<16xi32>
        %mul3A_708 = arith.mulf %gather3A_701, %get3A_5 : vector<16xf32>
        %add3A_709 = arith.addf %mul3A_708, %get3A_9 : vector<16xf32>
        tpu.vector_store_idx %arg9[%add3A_707], %add3A_709 : memref<32768xf32, #tpu.memory_space<vmem>>[vector<16xi32>], vector<16xf32>,
        %get3A_710 = arith.constant 18 : i32
        %get3A_711 = arith.index_cast %get3A_710 : i32 to index
        %get3A_712 = arith.constant 0 : index
        %get3A_713 = tpu.vector_load %arg11[%get3A_711, %get3A_712] {strides = array<i32>} : memref<64x16xi32, #tpu.memory_space<vmem>>, vector<16xi32>,
        %gather3A_714 = tpu.vector_load_idx %arg8[%add3A_439, %get3A_713] : memref<1024x32xf32, #tpu.memory_space<vmem>>[vector<16xi32>, vector<16xi32>], vector<16xf32>,
        %get3A_715 = arith.constant 50 : i32
        %get3A_716 = arith.index_cast %get3A_715 : i32 to index
        %get3A_717 = arith.constant 0 : index
        %get3A_718 = tpu.vector_load %arg11[%get3A_716, %get3A_717] {strides = array<i32>} : memref<64x16xi32, #tpu.memory_space<vmem>>, vector<16xi32>,
        %add3A_719 = vector.broadcast %add3A_476 : i32 to vector<16xi32>
        %add3A_720 = arith.addi %get3A_718, %add3A_719 : vector<16xi32>
        %mul3A_721 = arith.mulf %gather3A_714, %get3A_5 : vector<16xf32>
        %add3A_722 = arith.addf %mul3A_721, %get3A_9 : vector<16xf32>
        tpu.vector_store_idx %arg9[%add3A_720], %add3A_722 : memref<32768xf32, #tpu.memory_space<vmem>>[vector<16xi32>], vector<16xf32>,
        %get3A_723 = arith.constant 19 : i32
        %get3A_724 = arith.index_cast %get3A_723 : i32 to index
        %get3A_725 = arith.constant 0 : index
        %get3A_726 = tpu.vector_load %arg11[%get3A_724, %get3A_725] {strides = array<i32>} : memref<64x16xi32, #tpu.memory_space<vmem>>, vector<16xi32>,
        %gather3A_727 = tpu.vector_load_idx %arg8[%add3A_439, %get3A_726] : memref<1024x32xf32, #tpu.memory_space<vmem>>[vector<16xi32>, vector<16xi32>], vector<16xf32>,
        %get3A_728 = arith.constant 51 : i32
        %get3A_729 = arith.index_cast %get3A_728 : i32 to index
        %get3A_730 = arith.constant 0 : index
        %get3A_731 = tpu.vector_load %arg11[%get3A_729, %get3A_730] {strides = array<i32>} : memref<64x16xi32, #tpu.memory_space<vmem>>, vector<16xi32>,
        %add3A_732 = vector.broadcast %add3A_476 : i32 to vector<16xi32>
        %add3A_733 = arith.addi %get3A_731, %add3A_732 : vector<16xi32>
        %mul3A_734 = arith.mulf %gather3A_727, %get3A_5 : vector<16xf32>
        %add3A_735 = arith.addf %mul3A_734, %get3A_9 : vector<16xf32>
        tpu.vector_store_idx %arg9[%add3A_733], %add3A_735 : memref<32768xf32, #tpu.memory_space<vmem>>[vector<16xi32>], vector<16xf32>,
        %get3A_736 = arith.constant 20 : i32
        %get3A_737 = arith.index_cast %get3A_736 : i32 to index
        %get3A_738 = arith.constant 0 : index
        %get3A_739 = tpu.vector_load %arg11[%get3A_737, %get3A_738] {strides = array<i32>} : memref<64x16xi32, #tpu.memory_space<vmem>>, vector<16xi32>,
        %gather3A_740 = tpu.vector_load_idx %arg8[%add3A_439, %get3A_739] : memref<1024x32xf32, #tpu.memory_space<vmem>>[vector<16xi32>, vector<16xi32>], vector<16xf32>,
        %get3A_741 = arith.constant 52 : i32
        %get3A_742 = arith.index_cast %get3A_741 : i32 to index
        %get3A_743 = arith.constant 0 : index
        %get3A_744 = tpu.vector_load %arg11[%get3A_742, %get3A_743] {strides = array<i32>} : memref<64x16xi32, #tpu.memory_space<vmem>>, vector<16xi32>,
        %add3A_745 = vector.broadcast %add3A_476 : i32 to vector<16xi32>
        %add3A_746 = arith.addi %get3A_744, %add3A_745 : vector<16xi32>
        %mul3A_747 = arith.mulf %gather3A_740, %get3A_5 : vector<16xf32>
        %add3A_748 = arith.addf %mul3A_747, %get3A_9 : vector<16xf32>
        tpu.vector_store_idx %arg9[%add3A_746], %add3A_748 : memref<32768xf32, #tpu.memory_space<vmem>>[vector<16xi32>], vector<16xf32>,
        %get3A_749 = arith.constant 21 : i32
        %get3A_750 = arith.index_cast %get3A_749 : i32 to index
        %get3A_751 = arith.constant 0 : index
        %get3A_752 = tpu.vector_load %arg11[%get3A_750, %get3A_751] {strides = array<i32>} : memref<64x16xi32, #tpu.memory_space<vmem>>, vector<16xi32>,
        %gather3A_753 = tpu.vector_load_idx %arg8[%add3A_439, %get3A_752] : memref<1024x32xf32, #tpu.memory_space<vmem>>[vector<16xi32>, vector<16xi32>], vector<16xf32>,
        %get3A_754 = arith.constant 53 : i32
        %get3A_755 = arith.index_cast %get3A_754 : i32 to index
        %get3A_756 = arith.constant 0 : index
        %get3A_757 = tpu.vector_load %arg11[%get3A_755, %get3A_756] {strides = array<i32>} : memref<64x16xi32, #tpu.memory_space<vmem>>, vector<16xi32>,
        %add3A_758 = vector.broadcast %add3A_476 : i32 to vector<16xi32>
        %add3A_759 = arith.addi %get3A_757, %add3A_758 : vector<16xi32>
        %mul3A_760 = arith.mulf %gather3A_753, %get3A_5 : vector<16xf32>
        %add3A_761 = arith.addf %mul3A_760, %get3A_9 : vector<16xf32>
        tpu.vector_store_idx %arg9[%add3A_759], %add3A_761 : memref<32768xf32, #tpu.memory_space<vmem>>[vector<16xi32>], vector<16xf32>,
        %get3A_762 = arith.constant 22 : i32
        %get3A_763 = arith.index_cast %get3A_762 : i32 to index
        %get3A_764 = arith.constant 0 : index
        %get3A_765 = tpu.vector_load %arg11[%get3A_763, %get3A_764] {strides = array<i32>} : memref<64x16xi32, #tpu.memory_space<vmem>>, vector<16xi32>,
        %gather3A_766 = tpu.vector_load_idx %arg8[%add3A_439, %get3A_765] : memref<1024x32xf32, #tpu.memory_space<vmem>>[vector<16xi32>, vector<16xi32>], vector<16xf32>,
        %get3A_767 = arith.constant 54 : i32
        %get3A_768 = arith.index_cast %get3A_767 : i32 to index
        %get3A_769 = arith.constant 0 : index
        %get3A_770 = tpu.vector_load %arg11[%get3A_768, %get3A_769] {strides = array<i32>} : memref<64x16xi32, #tpu.memory_space<vmem>>, vector<16xi32>,
        %add3A_771 = vector.broadcast %add3A_476 : i32 to vector<16xi32>
        %add3A_772 = arith.addi %get3A_770, %add3A_771 : vector<16xi32>
        %mul3A_773 = arith.mulf %gather3A_766, %get3A_5 : vector<16xf32>
        %add3A_774 = arith.addf %mul3A_773, %get3A_9 : vector<16xf32>
        tpu.vector_store_idx %arg9[%add3A_772], %add3A_774 : memref<32768xf32, #tpu.memory_space<vmem>>[vector<16xi32>], vector<16xf32>,
        %get3A_775 = arith.constant 23 : i32
        %get3A_776 = arith.index_cast %get3A_775 : i32 to index
        %get3A_777 = arith.constant 0 : index
        %get3A_778 = tpu.vector_load %arg11[%get3A_776, %get3A_777] {strides = array<i32>} : memref<64x16xi32, #tpu.memory_space<vmem>>, vector<16xi32>,
        %gather3A_779 = tpu.vector_load_idx %arg8[%add3A_439, %get3A_778] : memref<1024x32xf32, #tpu.memory_space<vmem>>[vector<16xi32>, vector<16xi32>], vector<16xf32>,
        %get3A_780 = arith.constant 55 : i32
        %get3A_781 = arith.index_cast %get3A_780 : i32 to index
        %get3A_782 = arith.constant 0 : index
        %get3A_783 = tpu.vector_load %arg11[%get3A_781, %get3A_782] {strides = array<i32>} : memref<64x16xi32, #tpu.memory_space<vmem>>, vector<16xi32>,
        %add3A_784 = vector.broadcast %add3A_476 : i32 to vector<16xi32>
        %add3A_785 = arith.addi %get3A_783, %add3A_784 : vector<16xi32>
        %mul3A_786 = arith.mulf %gather3A_779, %get3A_5 : vector<16xf32>
        %add3A_787 = arith.addf %mul3A_786, %get3A_9 : vector<16xf32>
        tpu.vector_store_idx %arg9[%add3A_785], %add3A_787 : memref<32768xf32, #tpu.memory_space<vmem>>[vector<16xi32>], vector<16xf32>,
        %get3A_788 = arith.constant 24 : i32
        %get3A_789 = arith.index_cast %get3A_788 : i32 to index
        %get3A_790 = arith.constant 0 : index
        %get3A_791 = tpu.vector_load %arg11[%get3A_789, %get3A_790] {strides = array<i32>} : memref<64x16xi32, #tpu.memory_space<vmem>>, vector<16xi32>,
        %gather3A_792 = tpu.vector_load_idx %arg8[%add3A_439, %get3A_791] : memref<1024x32xf32, #tpu.memory_space<vmem>>[vector<16xi32>, vector<16xi32>], vector<16xf32>,
        %get3A_793 = arith.constant 56 : i32
        %get3A_794 = arith.index_cast %get3A_793 : i32 to index
        %get3A_795 = arith.constant 0 : index
        %get3A_796 = tpu.vector_load %arg11[%get3A_794, %get3A_795] {strides = array<i32>} : memref<64x16xi32, #tpu.memory_space<vmem>>, vector<16xi32>,
        %add3A_797 = vector.broadcast %add3A_476 : i32 to vector<16xi32>
        %add3A_798 = arith.addi %get3A_796, %add3A_797 : vector<16xi32>
        %mul3A_799 = arith.mulf %gather3A_792, %get3A_5 : vector<16xf32>
        %add3A_800 = arith.addf %mul3A_799, %get3A_9 : vector<16xf32>
        tpu.vector_store_idx %arg9[%add3A_798], %add3A_800 : memref<32768xf32, #tpu.memory_space<vmem>>[vector<16xi32>], vector<16xf32>,
        %get3A_801 = arith.constant 25 : i32
        %get3A_802 = arith.index_cast %get3A_801 : i32 to index
        %get3A_803 = arith.constant 0 : index
        %get3A_804 = tpu.vector_load %arg11[%get3A_802, %get3A_803] {strides = array<i32>} : memref<64x16xi32, #tpu.memory_space<vmem>>, vector<16xi32>,
        %gather3A_805 = tpu.vector_load_idx %arg8[%add3A_439, %get3A_804] : memref<1024x32xf32, #tpu.memory_space<vmem>>[vector<16xi32>, vector<16xi32>], vector<16xf32>,
        %get3A_806 = arith.constant 57 : i32
        %get3A_807 = arith.index_cast %get3A_806 : i32 to index
        %get3A_808 = arith.constant 0 : index
        %get3A_809 = tpu.vector_load %arg11[%get3A_807, %get3A_808] {strides = array<i32>} : memref<64x16xi32, #tpu.memory_space<vmem>>, vector<16xi32>,
        %add3A_810 = vector.broadcast %add3A_476 : i32 to vector<16xi32>
        %add3A_811 = arith.addi %get3A_809, %add3A_810 : vector<16xi32>
        %mul3A_812 = arith.mulf %gather3A_805, %get3A_5 : vector<16xf32>
        %add3A_813 = arith.addf %mul3A_812, %get3A_9 : vector<16xf32>
        tpu.vector_store_idx %arg9[%add3A_811], %add3A_813 : memref<32768xf32, #tpu.memory_space<vmem>>[vector<16xi32>], vector<16xf32>,
        %get3A_814 = arith.constant 26 : i32
        %get3A_815 = arith.index_cast %get3A_814 : i32 to index
        %get3A_816 = arith.constant 0 : index
        %get3A_817 = tpu.vector_load %arg11[%get3A_815, %get3A_816] {strides = array<i32>} : memref<64x16xi32, #tpu.memory_space<vmem>>, vector<16xi32>,
        %gather3A_818 = tpu.vector_load_idx %arg8[%add3A_439, %get3A_817] : memref<1024x32xf32, #tpu.memory_space<vmem>>[vector<16xi32>, vector<16xi32>], vector<16xf32>,
        %get3A_819 = arith.constant 58 : i32
        %get3A_820 = arith.index_cast %get3A_819 : i32 to index
        %get3A_821 = arith.constant 0 : index
        %get3A_822 = tpu.vector_load %arg11[%get3A_820, %get3A_821] {strides = array<i32>} : memref<64x16xi32, #tpu.memory_space<vmem>>, vector<16xi32>,
        %add3A_823 = vector.broadcast %add3A_476 : i32 to vector<16xi32>
        %add3A_824 = arith.addi %get3A_822, %add3A_823 : vector<16xi32>
        %mul3A_825 = arith.mulf %gather3A_818, %get3A_5 : vector<16xf32>
        %add3A_826 = arith.addf %mul3A_825, %get3A_9 : vector<16xf32>
        tpu.vector_store_idx %arg9[%add3A_824], %add3A_826 : memref<32768xf32, #tpu.memory_space<vmem>>[vector<16xi32>], vector<16xf32>,
        %get3A_827 = arith.constant 27 : i32
        %get3A_828 = arith.index_cast %get3A_827 : i32 to index
        %get3A_829 = arith.constant 0 : index
        %get3A_830 = tpu.vector_load %arg11[%get3A_828, %get3A_829] {strides = array<i32>} : memref<64x16xi32, #tpu.memory_space<vmem>>, vector<16xi32>,
        %gather3A_831 = tpu.vector_load_idx %arg8[%add3A_439, %get3A_830] : memref<1024x32xf32, #tpu.memory_space<vmem>>[vector<16xi32>, vector<16xi32>], vector<16xf32>,
        %get3A_832 = arith.constant 59 : i32
        %get3A_833 = arith.index_cast %get3A_832 : i32 to index
        %get3A_834 = arith.constant 0 : index
        %get3A_835 = tpu.vector_load %arg11[%get3A_833, %get3A_834] {strides = array<i32>} : memref<64x16xi32, #tpu.memory_space<vmem>>, vector<16xi32>,
        %add3A_836 = vector.broadcast %add3A_476 : i32 to vector<16xi32>
        %add3A_837 = arith.addi %get3A_835, %add3A_836 : vector<16xi32>
        %mul3A_838 = arith.mulf %gather3A_831, %get3A_5 : vector<16xf32>
        %add3A_839 = arith.addf %mul3A_838, %get3A_9 : vector<16xf32>
        tpu.vector_store_idx %arg9[%add3A_837], %add3A_839 : memref<32768xf32, #tpu.memory_space<vmem>>[vector<16xi32>], vector<16xf32>,
        %get3A_840 = arith.constant 28 : i32
        %get3A_841 = arith.index_cast %get3A_840 : i32 to index
        %get3A_842 = arith.constant 0 : index
        %get3A_843 = tpu.vector_load %arg11[%get3A_841, %get3A_842] {strides = array<i32>} : memref<64x16xi32, #tpu.memory_space<vmem>>, vector<16xi32>,
        %gather3A_844 = tpu.vector_load_idx %arg8[%add3A_439, %get3A_843] : memref<1024x32xf32, #tpu.memory_space<vmem>>[vector<16xi32>, vector<16xi32>], vector<16xf32>,
        %get3A_845 = arith.constant 60 : i32
        %get3A_846 = arith.index_cast %get3A_845 : i32 to index
        %get3A_847 = arith.constant 0 : index
        %get3A_848 = tpu.vector_load %arg11[%get3A_846, %get3A_847] {strides = array<i32>} : memref<64x16xi32, #tpu.memory_space<vmem>>, vector<16xi32>,
        %add3A_849 = vector.broadcast %add3A_476 : i32 to vector<16xi32>
        %add3A_850 = arith.addi %get3A_848, %add3A_849 : vector<16xi32>
        %mul3A_851 = arith.mulf %gather3A_844, %get3A_5 : vector<16xf32>
        %add3A_852 = arith.addf %mul3A_851, %get3A_9 : vector<16xf32>
        tpu.vector_store_idx %arg9[%add3A_850], %add3A_852 : memref<32768xf32, #tpu.memory_space<vmem>>[vector<16xi32>], vector<16xf32>,
        %get3A_853 = arith.constant 29 : i32
        %get3A_854 = arith.index_cast %get3A_853 : i32 to index
        %get3A_855 = arith.constant 0 : index
        %get3A_856 = tpu.vector_load %arg11[%get3A_854, %get3A_855] {strides = array<i32>} : memref<64x16xi32, #tpu.memory_space<vmem>>, vector<16xi32>,
        %gather3A_857 = tpu.vector_load_idx %arg8[%add3A_439, %get3A_856] : memref<1024x32xf32, #tpu.memory_space<vmem>>[vector<16xi32>, vector<16xi32>], vector<16xf32>,
        %get3A_858 = arith.constant 61 : i32
        %get3A_859 = arith.index_cast %get3A_858 : i32 to index
        %get3A_860 = arith.constant 0 : index
        %get3A_861 = tpu.vector_load %arg11[%get3A_859, %get3A_860] {strides = array<i32>} : memref<64x16xi32, #tpu.memory_space<vmem>>, vector<16xi32>,
        %add3A_862 = vector.broadcast %add3A_476 : i32 to vector<16xi32>
        %add3A_863 = arith.addi %get3A_861, %add3A_862 : vector<16xi32>
        %mul3A_864 = arith.mulf %gather3A_857, %get3A_5 : vector<16xf32>
        %add3A_865 = arith.addf %mul3A_864, %get3A_9 : vector<16xf32>
        tpu.vector_store_idx %arg9[%add3A_863], %add3A_865 : memref<32768xf32, #tpu.memory_space<vmem>>[vector<16xi32>], vector<16xf32>,
        %get3A_866 = arith.constant 30 : i32
        %get3A_867 = arith.index_cast %get3A_866 : i32 to index
        %get3A_868 = arith.constant 0 : index
        %get3A_869 = tpu.vector_load %arg11[%get3A_867, %get3A_868] {strides = array<i32>} : memref<64x16xi32, #tpu.memory_space<vmem>>, vector<16xi32>,
        %gather3A_870 = tpu.vector_load_idx %arg8[%add3A_439, %get3A_869] : memref<1024x32xf32, #tpu.memory_space<vmem>>[vector<16xi32>, vector<16xi32>], vector<16xf32>,
        %get3A_871 = arith.constant 62 : i32
        %get3A_872 = arith.index_cast %get3A_871 : i32 to index
        %get3A_873 = arith.constant 0 : index
        %get3A_874 = tpu.vector_load %arg11[%get3A_872, %get3A_873] {strides = array<i32>} : memref<64x16xi32, #tpu.memory_space<vmem>>, vector<16xi32>,
        %add3A_875 = vector.broadcast %add3A_476 : i32 to vector<16xi32>
        %add3A_876 = arith.addi %get3A_874, %add3A_875 : vector<16xi32>
        %mul3A_877 = arith.mulf %gather3A_870, %get3A_5 : vector<16xf32>
        %add3A_878 = arith.addf %mul3A_877, %get3A_9 : vector<16xf32>
        tpu.vector_store_idx %arg9[%add3A_876], %add3A_878 : memref<32768xf32, #tpu.memory_space<vmem>>[vector<16xi32>], vector<16xf32>,
        %get3A_879 = arith.constant 31 : i32
        %get3A_880 = arith.index_cast %get3A_879 : i32 to index
        %get3A_881 = arith.constant 0 : index
        %get3A_882 = tpu.vector_load %arg11[%get3A_880, %get3A_881] {strides = array<i32>} : memref<64x16xi32, #tpu.memory_space<vmem>>, vector<16xi32>,
        %gather3A_883 = tpu.vector_load_idx %arg8[%add3A_439, %get3A_882] : memref<1024x32xf32, #tpu.memory_space<vmem>>[vector<16xi32>, vector<16xi32>], vector<16xf32>,
        %get3A_884 = arith.constant 63 : i32
        %get3A_885 = arith.index_cast %get3A_884 : i32 to index
        %get3A_886 = arith.constant 0 : index
        %get3A_887 = tpu.vector_load %arg11[%get3A_885, %get3A_886] {strides = array<i32>} : memref<64x16xi32, #tpu.memory_space<vmem>>, vector<16xi32>,
        %add3A_888 = vector.broadcast %add3A_476 : i32 to vector<16xi32>
        %add3A_889 = arith.addi %get3A_887, %add3A_888 : vector<16xi32>
        %mul3A_890 = arith.mulf %gather3A_883, %get3A_5 : vector<16xf32>
        %add3A_891 = arith.addf %mul3A_890, %get3A_9 : vector<16xf32>
        tpu.vector_store_idx %arg9[%add3A_889], %add3A_891 : memref<32768xf32, #tpu.memory_space<vmem>>[vector<16xi32>], vector<16xf32>,
      }
      %scan3A_217 = arith.constant 32 : i32
      %mul3A_218 = arith.constant 1024 : i32
      %mul3A_219 = arith.muli %mul3A_2, %mul3A_218 : i32
      %dma_start3A_220 = arith.constant 0 : i32
      %dma_start3A_221 = arith.constant 0 : i32
      %dma_start3A_222 = tpu.memref_slice %arg9[%dma_start3A_221] : memref<32768xf32, #tpu.memory_space<vmem>> -> memref<4096xf32, #tpu.memory_space<vmem>>
      %dma_start3A_223 = tpu.memref_slice %arg6[%mul3A_20, %dma_start3A_220, %mul3A_219] : memref<50x4x131072xf32, #tpu.memory_space<hbm>> -> memref<1x1x4096xf32, #tpu.memory_space<hbm>>
      %dma_start3A_224 = tpu.memref_squeeze %dma_start3A_223 : memref<1x1x4096xf32, #tpu.memory_space<hbm>> -> memref<4096xf32, #tpu.memory_space<hbm>>
      %dma_start3A_225 = tpu.memref_slice %arg6[%mul3A_20, %dma_start3A_220, %mul3A_219] : memref<50x4x131072xf32, #tpu.memory_space<hbm>> -> memref<1x1x4096xf32, #tpu.memory_space<hbm>>
      %dma_start3A_226 = tpu.memref_squeeze %dma_start3A_225 : memref<1x1x4096xf32, #tpu.memory_space<hbm>> -> memref<4096xf32, #tpu.memory_space<hbm>>
      %dma_start3A_227 = arith.constant 0 : i32
      %dma_start3A_228 = tpu.memref_slice %arg9[%dma_start3A_227] : memref<32768xf32, #tpu.memory_space<vmem>> -> memref<4096xf32, #tpu.memory_space<vmem>>
      tpu.enqueue_dma source(%dma_start3A_228 : memref<4096xf32, #tpu.memory_space<vmem>>) target(%dma_start3A_226 : memref<4096xf32, #tpu.memory_space<hbm>>) target_semaphore(%arg14 : memref<!tpu.dma_semaphore, #tpu.memory_space<semaphore_mem>>)
      %mul3A_229 = arith.constant 1024 : i32
      %mul3A_230 = arith.muli %mul3A_2, %mul3A_229 : i32
      %dma_start3A_231 = arith.constant 1 : i32
      %dma_start3A_232 = arith.constant 4096 : i32
      %dma_start3A_233 = tpu.memref_slice %arg9[%dma_start3A_232] : memref<32768xf32, #tpu.memory_space<vmem>> -> memref<4096xf32, #tpu.memory_space<vmem>>
      %dma_start3A_234 = tpu.memref_slice %arg6[%mul3A_20, %dma_start3A_231, %mul3A_230] : memref<50x4x131072xf32, #tpu.memory_space<hbm>> -> memref<1x1x4096xf32, #tpu.memory_space<hbm>>
      %dma_start3A_235 = tpu.memref_squeeze %dma_start3A_234 : memref<1x1x4096xf32, #tpu.memory_space<hbm>> -> memref<4096xf32, #tpu.memory_space<hbm>>
      %dma_start3A_236 = tpu.memref_slice %arg6[%mul3A_20, %dma_start3A_231, %mul3A_230] : memref<50x4x131072xf32, #tpu.memory_space<hbm>> -> memref<1x1x4096xf32, #tpu.memory_space<hbm>>
      %dma_start3A_237 = tpu.memref_squeeze %dma_start3A_236 : memref<1x1x4096xf32, #tpu.memory_space<hbm>> -> memref<4096xf32, #tpu.memory_space<hbm>>
      %dma_start3A_238 = arith.constant 4096 : i32
      %dma_start3A_239 = tpu.memref_slice %arg9[%dma_start3A_238] : memref<32768xf32, #tpu.memory_space<vmem>> -> memref<4096xf32, #tpu.memory_space<vmem>>
      tpu.enqueue_dma source(%dma_start3A_239 : memref<4096xf32, #tpu.memory_space<vmem>>) target(%dma_start3A_237 : memref<4096xf32, #tpu.memory_space<hbm>>) target_semaphore(%arg14 : memref<!tpu.dma_semaphore, #tpu.memory_space<semaphore_mem>>)
      %mul3A_240 = arith.constant 1024 : i32
      %mul3A_241 = arith.muli %mul3A_2, %mul3A_240 : i32
      %dma_start3A_242 = arith.constant 2 : i32
      %dma_start3A_243 = arith.constant 8192 : i32
      %dma_start3A_244 = tpu.memref_slice %arg9[%dma_start3A_243] : memref<32768xf32, #tpu.memory_space<vmem>> -> memref<4096xf32, #tpu.memory_space<vmem>>
      %dma_start3A_245 = tpu.memref_slice %arg6[%mul3A_20, %dma_start3A_242, %mul3A_241] : memref<50x4x131072xf32, #tpu.memory_space<hbm>> -> memref<1x1x4096xf32, #tpu.memory_space<hbm>>
      %dma_start3A_246 = tpu.memref_squeeze %dma_start3A_245 : memref<1x1x4096xf32, #tpu.memory_space<hbm>> -> memref<4096xf32, #tpu.memory_space<hbm>>
      %dma_start3A_247 = tpu.memref_slice %arg6[%mul3A_20, %dma_start3A_242, %mul3A_241] : memref<50x4x131072xf32, #tpu.memory_space<hbm>> -> memref<1x1x4096xf32, #tpu.memory_space<hbm>>
      %dma_start3A_248 = tpu.memref_squeeze %dma_start3A_247 : memref<1x1x4096xf32, #tpu.memory_space<hbm>> -> memref<4096xf32, #tpu.memory_space<hbm>>
      %dma_start3A_249 = arith.constant 8192 : i32
      %dma_start3A_250 = tpu.memref_slice %arg9[%dma_start3A_249] : memref<32768xf32, #tpu.memory_space<vmem>> -> memref<4096xf32, #tpu.memory_space<vmem>>
      tpu.enqueue_dma source(%dma_start3A_250 : memref<4096xf32, #tpu.memory_space<vmem>>) target(%dma_start3A_248 : memref<4096xf32, #tpu.memory_space<hbm>>) target_semaphore(%arg14 : memref<!tpu.dma_semaphore, #tpu.memory_space<semaphore_mem>>)
      %mul3A_251 = arith.constant 1024 : i32
      %mul3A_252 = arith.muli %mul3A_2, %mul3A_251 : i32
      %dma_start3A_253 = arith.constant 3 : i32
      %dma_start3A_254 = arith.constant 12288 : i32
      %dma_start3A_255 = tpu.memref_slice %arg9[%dma_start3A_254] : memref<32768xf32, #tpu.memory_space<vmem>> -> memref<4096xf32, #tpu.memory_space<vmem>>
      %dma_start3A_256 = tpu.memref_slice %arg6[%mul3A_20, %dma_start3A_253, %mul3A_252] : memref<50x4x131072xf32, #tpu.memory_space<hbm>> -> memref<1x1x4096xf32, #tpu.memory_space<hbm>>
      %dma_start3A_257 = tpu.memref_squeeze %dma_start3A_256 : memref<1x1x4096xf32, #tpu.memory_space<hbm>> -> memref<4096xf32, #tpu.memory_space<hbm>>
      %dma_start3A_258 = tpu.memref_slice %arg6[%mul3A_20, %dma_start3A_253, %mul3A_252] : memref<50x4x131072xf32, #tpu.memory_space<hbm>> -> memref<1x1x4096xf32, #tpu.memory_space<hbm>>
      %dma_start3A_259 = tpu.memref_squeeze %dma_start3A_258 : memref<1x1x4096xf32, #tpu.memory_space<hbm>> -> memref<4096xf32, #tpu.memory_space<hbm>>
      %dma_start3A_260 = arith.constant 12288 : i32
      %dma_start3A_261 = tpu.memref_slice %arg9[%dma_start3A_260] : memref<32768xf32, #tpu.memory_space<vmem>> -> memref<4096xf32, #tpu.memory_space<vmem>>
      tpu.enqueue_dma source(%dma_start3A_261 : memref<4096xf32, #tpu.memory_space<vmem>>) target(%dma_start3A_259 : memref<4096xf32, #tpu.memory_space<hbm>>) target_semaphore(%arg14 : memref<!tpu.dma_semaphore, #tpu.memory_space<semaphore_mem>>)
      %dma_wait3A_262 = arith.constant 1 : i32
      %dma_wait3A_263 = arith.constant 0 : i32
      %dma_wait3A_264 = arith.constant 512 : i32
      %dma_wait3A_265 = arith.constant 0 : i32
      %dma_wait3A_266 = tpu.memref_slice %arg8[%dma_wait3A_264, %dma_wait3A_265] : memref<1024x32xf32, #tpu.memory_space<vmem>> -> memref<128x32xf32, #tpu.memory_space<vmem>>
      %dma_wait3A_267 = arith.constant 0 : i32
      %dma_wait3A_268 = tpu.memref_slice %arg7[%dma_wait3A_262, %dma_wait3A_263, %dma_wait3A_267] : memref<2x4x128xi32, #tpu.memory_space<vmem>> -> memref<1x1x128xi32, #tpu.memory_space<vmem>>
      %dma_wait3A_269 = tpu.memref_squeeze %dma_wait3A_268 : memref<1x1x128xi32, #tpu.memory_space<vmem>> -> memref<128xi32, #tpu.memory_space<vmem>>
      %dma_wait3A_270 = arith.constant 0 : i32
      %dma_wait3A_271 = arith.constant 0 : i32
      %dma_wait3A_272 = tpu.memref_slice %arg2[%dma_wait3A_270, %dma_wait3A_271] : memref<1000000x32xf32, #tpu.memory_space<hbm>> -> memref<1000000x32xf32, #tpu.memory_space<hbm>>
      tpu.wait_indirect_dma semaphore(%arg13 : memref<!tpu.dma_semaphore, #tpu.memory_space<semaphore_mem>>) src(%dma_wait3A_272 : memref<1000000x32xf32, #tpu.memory_space<hbm>>) dst(%dma_wait3A_266 : memref<128x32xf32, #tpu.memory_space<vmem>>)
      %dma_wait3A_273 = arith.constant 1 : i32
      %dma_wait3A_274 = arith.constant 1 : i32
      %dma_wait3A_275 = arith.constant 640 : i32
      %dma_wait3A_276 = arith.constant 0 : i32
      %dma_wait3A_277 = tpu.memref_slice %arg8[%dma_wait3A_275, %dma_wait3A_276] : memref<1024x32xf32, #tpu.memory_space<vmem>> -> memref<128x32xf32, #tpu.memory_space<vmem>>
      %dma_wait3A_278 = arith.constant 0 : i32
      %dma_wait3A_279 = tpu.memref_slice %arg7[%dma_wait3A_273, %dma_wait3A_274, %dma_wait3A_278] : memref<2x4x128xi32, #tpu.memory_space<vmem>> -> memref<1x1x128xi32, #tpu.memory_space<vmem>>
      %dma_wait3A_280 = tpu.memref_squeeze %dma_wait3A_279 : memref<1x1x128xi32, #tpu.memory_space<vmem>> -> memref<128xi32, #tpu.memory_space<vmem>>
      %dma_wait3A_281 = arith.constant 0 : i32
      %dma_wait3A_282 = arith.constant 0 : i32
      %dma_wait3A_283 = tpu.memref_slice %arg2[%dma_wait3A_281, %dma_wait3A_282] : memref<1000000x32xf32, #tpu.memory_space<hbm>> -> memref<1000000x32xf32, #tpu.memory_space<hbm>>
      tpu.wait_indirect_dma semaphore(%arg13 : memref<!tpu.dma_semaphore, #tpu.memory_space<semaphore_mem>>) src(%dma_wait3A_283 : memref<1000000x32xf32, #tpu.memory_space<hbm>>) dst(%dma_wait3A_277 : memref<128x32xf32, #tpu.memory_space<vmem>>)
      %dma_wait3A_284 = arith.constant 1 : i32
      %dma_wait3A_285 = arith.constant 2 : i32
      %dma_wait3A_286 = arith.constant 768 : i32
      %dma_wait3A_287 = arith.constant 0 : i32
      %dma_wait3A_288 = tpu.memref_slice %arg8[%dma_wait3A_286, %dma_wait3A_287] : memref<1024x32xf32, #tpu.memory_space<vmem>> -> memref<128x32xf32, #tpu.memory_space<vmem>>
      %dma_wait3A_289 = arith.constant 0 : i32
      %dma_wait3A_290 = tpu.memref_slice %arg7[%dma_wait3A_284, %dma_wait3A_285, %dma_wait3A_289] : memref<2x4x128xi32, #tpu.memory_space<vmem>> -> memref<1x1x128xi32, #tpu.memory_space<vmem>>
      %dma_wait3A_291 = tpu.memref_squeeze %dma_wait3A_290 : memref<1x1x128xi32, #tpu.memory_space<vmem>> -> memref<128xi32, #tpu.memory_space<vmem>>
      %dma_wait3A_292 = arith.constant 0 : i32
      %dma_wait3A_293 = arith.constant 0 : i32
      %dma_wait3A_294 = tpu.memref_slice %arg2[%dma_wait3A_292, %dma_wait3A_293] : memref<1000000x32xf32, #tpu.memory_space<hbm>> -> memref<1000000x32xf32, #tpu.memory_space<hbm>>
      tpu.wait_indirect_dma semaphore(%arg13 : memref<!tpu.dma_semaphore, #tpu.memory_space<semaphore_mem>>) src(%dma_wait3A_294 : memref<1000000x32xf32, #tpu.memory_space<hbm>>) dst(%dma_wait3A_288 : memref<128x32xf32, #tpu.memory_space<vmem>>)
      %dma_wait3A_295 = arith.constant 1 : i32
      %dma_wait3A_296 = arith.constant 3 : i32
      %dma_wait3A_297 = arith.constant 896 : i32
      %dma_wait3A_298 = arith.constant 0 : i32
      %dma_wait3A_299 = tpu.memref_slice %arg8[%dma_wait3A_297, %dma_wait3A_298] : memref<1024x32xf32, #tpu.memory_space<vmem>> -> memref<128x32xf32, #tpu.memory_space<vmem>>
      %dma_wait3A_300 = arith.constant 0 : i32
      %dma_wait3A_301 = tpu.memref_slice %arg7[%dma_wait3A_295, %dma_wait3A_296, %dma_wait3A_300] : memref<2x4x128xi32, #tpu.memory_space<vmem>> -> memref<1x1x128xi32, #tpu.memory_space<vmem>>
      %dma_wait3A_302 = tpu.memref_squeeze %dma_wait3A_301 : memref<1x1x128xi32, #tpu.memory_space<vmem>> -> memref<128xi32, #tpu.memory_space<vmem>>
      %dma_wait3A_303 = arith.constant 0 : i32
      %dma_wait3A_304 = arith.constant 0 : i32
      %dma_wait3A_305 = tpu.memref_slice %arg2[%dma_wait3A_303, %dma_wait3A_304] : memref<1000000x32xf32, #tpu.memory_space<hbm>> -> memref<1000000x32xf32, #tpu.memory_space<hbm>>
      tpu.wait_indirect_dma semaphore(%arg13 : memref<!tpu.dma_semaphore, #tpu.memory_space<semaphore_mem>>) src(%dma_wait3A_305 : memref<1000000x32xf32, #tpu.memory_space<hbm>>) dst(%dma_wait3A_299 : memref<128x32xf32, #tpu.memory_space<vmem>>)
      %scan3A_306 = arith.constant 0 : i32
      %scan3A_307 = arith.constant 32 : i32
      %scan3A_308 = arith.addi %scan3A_306, %scan3A_307 : i32
      %scan3A_309 = arith.constant 1 : i32
      scf.for %scan3A_429 = %scan3A_306 to %scan3A_308 step %scan3A_309  : i32 {
        %mul3A_430 = arith.constant 1 : i32
        %mul3A_431 = arith.muli %scan3A_429, %mul3A_430 : i32
        %add3A_432 = arith.constant 0 : i32
        %add3A_433 = arith.addi %add3A_432, %mul3A_431 : i32
        %mul3A_434 = arith.constant 16 : i32
        %mul3A_435 = arith.muli %add3A_433, %mul3A_434 : i32
        %add3A_436 = arith.constant 512 : i32
        %add3A_437 = arith.addi %add3A_436, %mul3A_435 : i32
        %add3A_438 = vector.broadcast %add3A_437 : i32 to vector<16xi32>
        %add3A_439 = arith.addi %iota3A, %add3A_438 : vector<16xi32>
        %jit3A = arith.constant 8 : i32
        %div3A = arith.divsi %add3A_433, %jit3A : i32
        %sign3A = arith.constant 0 : i32
        %sign3A_440 = arith.cmpi sgt, %add3A_433, %sign3A : i32
        %sign3A_441 = arith.extui %sign3A_440 : i1 to i32
        %sign3A_442 = arith.constant 0 : i32
        %sign3A_443 = arith.cmpi slt, %add3A_433, %sign3A_442 : i32
        %sign3A_444 = arith.extui %sign3A_443 : i1 to i32
        %sign3A_445 = arith.subi %sign3A_441, %sign3A_444 : i32
        %sign3A_446 = arith.constant 0 : i32
        %sign3A_447 = arith.cmpi sgt, %jit3A, %sign3A_446 : i32
        %sign3A_448 = arith.extui %sign3A_447 : i1 to i32
        %sign3A_449 = arith.constant 0 : i32
        %sign3A_450 = arith.cmpi slt, %jit3A, %sign3A_449 : i32
        %sign3A_451 = arith.extui %sign3A_450 : i1 to i32
        %sign3A_452 = arith.subi %sign3A_448, %sign3A_451 : i32
        %ne3A = arith.cmpi ne, %sign3A_445, %sign3A_452 : i32
        %rem3A = arith.remsi %add3A_433, %jit3A : i32
        %ne3A_453 = arith.constant 0 : i32
        %ne3A_454 = arith.cmpi ne, %rem3A, %ne3A_453 : i32
        %and3A = arith.andi %ne3A, %ne3A_454 : i1
        %sub3A = arith.constant 1 : i32
        %sub3A_455 = arith.subi %div3A, %sub3A : i32
        %select_n3A = arith.select %and3A, %sub3A_455, %div3A : i32
        %mul3A_456 = arith.constant 1024 : i32
        %mul3A_457 = arith.muli %select_n3A, %mul3A_456 : i32
        %add3A_458 = arith.constant 16384 : i32
        %add3A_459 = arith.addi %add3A_458, %mul3A_457 : i32
        %jit3A_460 = arith.constant 8 : i32
        %eq3A = arith.constant 0 : i32
        %eq3A_461 = arith.cmpi eq, %jit3A_460, %eq3A : i32
        %jit3A_462 = arith.constant 1 : i32
        %select_n3A_463 = arith.select %eq3A_461, %jit3A_462, %jit3A_460 : i32
        %rem3A_464 = arith.remsi %add3A_433, %select_n3A_463 : i32
        %ne3A_465 = arith.constant 0 : i32
        %ne3A_466 = arith.cmpi ne, %rem3A_464, %ne3A_465 : i32
        %lt3A = arith.constant 0 : i32
        %lt3A_467 = arith.cmpi slt, %rem3A_464, %lt3A : i32
        %lt3A_468 = arith.constant 0 : i32
        %lt3A_469 = arith.cmpi slt, %select_n3A_463, %lt3A_468 : i32
        %ne3A_470 = arith.xori %lt3A_467, %lt3A_469 : i1
        %and3A_471 = arith.andi %ne3A_470, %ne3A_466 : i1
        %add3A_472 = arith.addi %rem3A_464, %select_n3A_463 : i32
        %select_n3A_473 = arith.select %and3A_471, %add3A_472, %rem3A_464 : i32
        %mul3A_474 = arith.constant 16 : i32
        %mul3A_475 = arith.muli %select_n3A_473, %mul3A_474 : i32
        %add3A_476 = arith.addi %add3A_459, %mul3A_475 : i32
        %get3A_477 = arith.constant 0 : i32
        %get3A_478 = arith.index_cast %get3A_477 : i32 to index
        %get3A_479 = arith.constant 0 : index
        %get3A_480 = tpu.vector_load %arg11[%get3A_478, %get3A_479] {strides = array<i32>} : memref<64x16xi32, #tpu.memory_space<vmem>>, vector<16xi32>,
        %gather3A = tpu.vector_load_idx %arg8[%add3A_439, %get3A_480] : memref<1024x32xf32, #tpu.memory_space<vmem>>[vector<16xi32>, vector<16xi32>], vector<16xf32>,
        %get3A_481 = arith.constant 32 : i32
        %get3A_482 = arith.index_cast %get3A_481 : i32 to index
        %get3A_483 = arith.constant 0 : index
        %get3A_484 = tpu.vector_load %arg11[%get3A_482, %get3A_483] {strides = array<i32>} : memref<64x16xi32, #tpu.memory_space<vmem>>, vector<16xi32>,
        %add3A_485 = vector.broadcast %add3A_476 : i32 to vector<16xi32>
        %add3A_486 = arith.addi %get3A_484, %add3A_485 : vector<16xi32>
        %mul3A_487 = arith.mulf %gather3A, %get3A_5 : vector<16xf32>
        %add3A_488 = arith.addf %mul3A_487, %get3A_9 : vector<16xf32>
        tpu.vector_store_idx %arg9[%add3A_486], %add3A_488 : memref<32768xf32, #tpu.memory_space<vmem>>[vector<16xi32>], vector<16xf32>,
        %get3A_489 = arith.constant 1 : i32
        %get3A_490 = arith.index_cast %get3A_489 : i32 to index
        %get3A_491 = arith.constant 0 : index
        %get3A_492 = tpu.vector_load %arg11[%get3A_490, %get3A_491] {strides = array<i32>} : memref<64x16xi32, #tpu.memory_space<vmem>>, vector<16xi32>,
        %gather3A_493 = tpu.vector_load_idx %arg8[%add3A_439, %get3A_492] : memref<1024x32xf32, #tpu.memory_space<vmem>>[vector<16xi32>, vector<16xi32>], vector<16xf32>,
        %get3A_494 = arith.constant 33 : i32
        %get3A_495 = arith.index_cast %get3A_494 : i32 to index
        %get3A_496 = arith.constant 0 : index
        %get3A_497 = tpu.vector_load %arg11[%get3A_495, %get3A_496] {strides = array<i32>} : memref<64x16xi32, #tpu.memory_space<vmem>>, vector<16xi32>,
        %add3A_498 = vector.broadcast %add3A_476 : i32 to vector<16xi32>
        %add3A_499 = arith.addi %get3A_497, %add3A_498 : vector<16xi32>
        %mul3A_500 = arith.mulf %gather3A_493, %get3A_5 : vector<16xf32>
        %add3A_501 = arith.addf %mul3A_500, %get3A_9 : vector<16xf32>
        tpu.vector_store_idx %arg9[%add3A_499], %add3A_501 : memref<32768xf32, #tpu.memory_space<vmem>>[vector<16xi32>], vector<16xf32>,
        %get3A_502 = arith.constant 2 : i32
        %get3A_503 = arith.index_cast %get3A_502 : i32 to index
        %get3A_504 = arith.constant 0 : index
        %get3A_505 = tpu.vector_load %arg11[%get3A_503, %get3A_504] {strides = array<i32>} : memref<64x16xi32, #tpu.memory_space<vmem>>, vector<16xi32>,
        %gather3A_506 = tpu.vector_load_idx %arg8[%add3A_439, %get3A_505] : memref<1024x32xf32, #tpu.memory_space<vmem>>[vector<16xi32>, vector<16xi32>], vector<16xf32>,
        %get3A_507 = arith.constant 34 : i32
        %get3A_508 = arith.index_cast %get3A_507 : i32 to index
        %get3A_509 = arith.constant 0 : index
        %get3A_510 = tpu.vector_load %arg11[%get3A_508, %get3A_509] {strides = array<i32>} : memref<64x16xi32, #tpu.memory_space<vmem>>, vector<16xi32>,
        %add3A_511 = vector.broadcast %add3A_476 : i32 to vector<16xi32>
        %add3A_512 = arith.addi %get3A_510, %add3A_511 : vector<16xi32>
        %mul3A_513 = arith.mulf %gather3A_506, %get3A_5 : vector<16xf32>
        %add3A_514 = arith.addf %mul3A_513, %get3A_9 : vector<16xf32>
        tpu.vector_store_idx %arg9[%add3A_512], %add3A_514 : memref<32768xf32, #tpu.memory_space<vmem>>[vector<16xi32>], vector<16xf32>,
        %get3A_515 = arith.constant 3 : i32
        %get3A_516 = arith.index_cast %get3A_515 : i32 to index
        %get3A_517 = arith.constant 0 : index
        %get3A_518 = tpu.vector_load %arg11[%get3A_516, %get3A_517] {strides = array<i32>} : memref<64x16xi32, #tpu.memory_space<vmem>>, vector<16xi32>,
        %gather3A_519 = tpu.vector_load_idx %arg8[%add3A_439, %get3A_518] : memref<1024x32xf32, #tpu.memory_space<vmem>>[vector<16xi32>, vector<16xi32>], vector<16xf32>,
        %get3A_520 = arith.constant 35 : i32
        %get3A_521 = arith.index_cast %get3A_520 : i32 to index
        %get3A_522 = arith.constant 0 : index
        %get3A_523 = tpu.vector_load %arg11[%get3A_521, %get3A_522] {strides = array<i32>} : memref<64x16xi32, #tpu.memory_space<vmem>>, vector<16xi32>,
        %add3A_524 = vector.broadcast %add3A_476 : i32 to vector<16xi32>
        %add3A_525 = arith.addi %get3A_523, %add3A_524 : vector<16xi32>
        %mul3A_526 = arith.mulf %gather3A_519, %get3A_5 : vector<16xf32>
        %add3A_527 = arith.addf %mul3A_526, %get3A_9 : vector<16xf32>
        tpu.vector_store_idx %arg9[%add3A_525], %add3A_527 : memref<32768xf32, #tpu.memory_space<vmem>>[vector<16xi32>], vector<16xf32>,
        %get3A_528 = arith.constant 4 : i32
        %get3A_529 = arith.index_cast %get3A_528 : i32 to index
        %get3A_530 = arith.constant 0 : index
        %get3A_531 = tpu.vector_load %arg11[%get3A_529, %get3A_530] {strides = array<i32>} : memref<64x16xi32, #tpu.memory_space<vmem>>, vector<16xi32>,
        %gather3A_532 = tpu.vector_load_idx %arg8[%add3A_439, %get3A_531] : memref<1024x32xf32, #tpu.memory_space<vmem>>[vector<16xi32>, vector<16xi32>], vector<16xf32>,
        %get3A_533 = arith.constant 36 : i32
        %get3A_534 = arith.index_cast %get3A_533 : i32 to index
        %get3A_535 = arith.constant 0 : index
        %get3A_536 = tpu.vector_load %arg11[%get3A_534, %get3A_535] {strides = array<i32>} : memref<64x16xi32, #tpu.memory_space<vmem>>, vector<16xi32>,
        %add3A_537 = vector.broadcast %add3A_476 : i32 to vector<16xi32>
        %add3A_538 = arith.addi %get3A_536, %add3A_537 : vector<16xi32>
        %mul3A_539 = arith.mulf %gather3A_532, %get3A_5 : vector<16xf32>
        %add3A_540 = arith.addf %mul3A_539, %get3A_9 : vector<16xf32>
        tpu.vector_store_idx %arg9[%add3A_538], %add3A_540 : memref<32768xf32, #tpu.memory_space<vmem>>[vector<16xi32>], vector<16xf32>,
        %get3A_541 = arith.constant 5 : i32
        %get3A_542 = arith.index_cast %get3A_541 : i32 to index
        %get3A_543 = arith.constant 0 : index
        %get3A_544 = tpu.vector_load %arg11[%get3A_542, %get3A_543] {strides = array<i32>} : memref<64x16xi32, #tpu.memory_space<vmem>>, vector<16xi32>,
        %gather3A_545 = tpu.vector_load_idx %arg8[%add3A_439, %get3A_544] : memref<1024x32xf32, #tpu.memory_space<vmem>>[vector<16xi32>, vector<16xi32>], vector<16xf32>,
        %get3A_546 = arith.constant 37 : i32
        %get3A_547 = arith.index_cast %get3A_546 : i32 to index
        %get3A_548 = arith.constant 0 : index
        %get3A_549 = tpu.vector_load %arg11[%get3A_547, %get3A_548] {strides = array<i32>} : memref<64x16xi32, #tpu.memory_space<vmem>>, vector<16xi32>,
        %add3A_550 = vector.broadcast %add3A_476 : i32 to vector<16xi32>
        %add3A_551 = arith.addi %get3A_549, %add3A_550 : vector<16xi32>
        %mul3A_552 = arith.mulf %gather3A_545, %get3A_5 : vector<16xf32>
        %add3A_553 = arith.addf %mul3A_552, %get3A_9 : vector<16xf32>
        tpu.vector_store_idx %arg9[%add3A_551], %add3A_553 : memref<32768xf32, #tpu.memory_space<vmem>>[vector<16xi32>], vector<16xf32>,
        %get3A_554 = arith.constant 6 : i32
        %get3A_555 = arith.index_cast %get3A_554 : i32 to index
        %get3A_556 = arith.constant 0 : index
        %get3A_557 = tpu.vector_load %arg11[%get3A_555, %get3A_556] {strides = array<i32>} : memref<64x16xi32, #tpu.memory_space<vmem>>, vector<16xi32>,
        %gather3A_558 = tpu.vector_load_idx %arg8[%add3A_439, %get3A_557] : memref<1024x32xf32, #tpu.memory_space<vmem>>[vector<16xi32>, vector<16xi32>], vector<16xf32>,
        %get3A_559 = arith.constant 38 : i32
        %get3A_560 = arith.index_cast %get3A_559 : i32 to index
        %get3A_561 = arith.constant 0 : index
        %get3A_562 = tpu.vector_load %arg11[%get3A_560, %get3A_561] {strides = array<i32>} : memref<64x16xi32, #tpu.memory_space<vmem>>, vector<16xi32>,
        %add3A_563 = vector.broadcast %add3A_476 : i32 to vector<16xi32>
        %add3A_564 = arith.addi %get3A_562, %add3A_563 : vector<16xi32>
        %mul3A_565 = arith.mulf %gather3A_558, %get3A_5 : vector<16xf32>
        %add3A_566 = arith.addf %mul3A_565, %get3A_9 : vector<16xf32>
        tpu.vector_store_idx %arg9[%add3A_564], %add3A_566 : memref<32768xf32, #tpu.memory_space<vmem>>[vector<16xi32>], vector<16xf32>,
        %get3A_567 = arith.constant 7 : i32
        %get3A_568 = arith.index_cast %get3A_567 : i32 to index
        %get3A_569 = arith.constant 0 : index
        %get3A_570 = tpu.vector_load %arg11[%get3A_568, %get3A_569] {strides = array<i32>} : memref<64x16xi32, #tpu.memory_space<vmem>>, vector<16xi32>,
        %gather3A_571 = tpu.vector_load_idx %arg8[%add3A_439, %get3A_570] : memref<1024x32xf32, #tpu.memory_space<vmem>>[vector<16xi32>, vector<16xi32>], vector<16xf32>,
        %get3A_572 = arith.constant 39 : i32
        %get3A_573 = arith.index_cast %get3A_572 : i32 to index
        %get3A_574 = arith.constant 0 : index
        %get3A_575 = tpu.vector_load %arg11[%get3A_573, %get3A_574] {strides = array<i32>} : memref<64x16xi32, #tpu.memory_space<vmem>>, vector<16xi32>,
        %add3A_576 = vector.broadcast %add3A_476 : i32 to vector<16xi32>
        %add3A_577 = arith.addi %get3A_575, %add3A_576 : vector<16xi32>
        %mul3A_578 = arith.mulf %gather3A_571, %get3A_5 : vector<16xf32>
        %add3A_579 = arith.addf %mul3A_578, %get3A_9 : vector<16xf32>
        tpu.vector_store_idx %arg9[%add3A_577], %add3A_579 : memref<32768xf32, #tpu.memory_space<vmem>>[vector<16xi32>], vector<16xf32>,
        %get3A_580 = arith.constant 8 : i32
        %get3A_581 = arith.index_cast %get3A_580 : i32 to index
        %get3A_582 = arith.constant 0 : index
        %get3A_583 = tpu.vector_load %arg11[%get3A_581, %get3A_582] {strides = array<i32>} : memref<64x16xi32, #tpu.memory_space<vmem>>, vector<16xi32>,
        %gather3A_584 = tpu.vector_load_idx %arg8[%add3A_439, %get3A_583] : memref<1024x32xf32, #tpu.memory_space<vmem>>[vector<16xi32>, vector<16xi32>], vector<16xf32>,
        %get3A_585 = arith.constant 40 : i32
        %get3A_586 = arith.index_cast %get3A_585 : i32 to index
        %get3A_587 = arith.constant 0 : index
        %get3A_588 = tpu.vector_load %arg11[%get3A_586, %get3A_587] {strides = array<i32>} : memref<64x16xi32, #tpu.memory_space<vmem>>, vector<16xi32>,
        %add3A_589 = vector.broadcast %add3A_476 : i32 to vector<16xi32>
        %add3A_590 = arith.addi %get3A_588, %add3A_589 : vector<16xi32>
        %mul3A_591 = arith.mulf %gather3A_584, %get3A_5 : vector<16xf32>
        %add3A_592 = arith.addf %mul3A_591, %get3A_9 : vector<16xf32>
        tpu.vector_store_idx %arg9[%add3A_590], %add3A_592 : memref<32768xf32, #tpu.memory_space<vmem>>[vector<16xi32>], vector<16xf32>,
        %get3A_593 = arith.constant 9 : i32
        %get3A_594 = arith.index_cast %get3A_593 : i32 to index
        %get3A_595 = arith.constant 0 : index
        %get3A_596 = tpu.vector_load %arg11[%get3A_594, %get3A_595] {strides = array<i32>} : memref<64x16xi32, #tpu.memory_space<vmem>>, vector<16xi32>,
        %gather3A_597 = tpu.vector_load_idx %arg8[%add3A_439, %get3A_596] : memref<1024x32xf32, #tpu.memory_space<vmem>>[vector<16xi32>, vector<16xi32>], vector<16xf32>,
        %get3A_598 = arith.constant 41 : i32
        %get3A_599 = arith.index_cast %get3A_598 : i32 to index
        %get3A_600 = arith.constant 0 : index
        %get3A_601 = tpu.vector_load %arg11[%get3A_599, %get3A_600] {strides = array<i32>} : memref<64x16xi32, #tpu.memory_space<vmem>>, vector<16xi32>,
        %add3A_602 = vector.broadcast %add3A_476 : i32 to vector<16xi32>
        %add3A_603 = arith.addi %get3A_601, %add3A_602 : vector<16xi32>
        %mul3A_604 = arith.mulf %gather3A_597, %get3A_5 : vector<16xf32>
        %add3A_605 = arith.addf %mul3A_604, %get3A_9 : vector<16xf32>
        tpu.vector_store_idx %arg9[%add3A_603], %add3A_605 : memref<32768xf32, #tpu.memory_space<vmem>>[vector<16xi32>], vector<16xf32>,
        %get3A_606 = arith.constant 10 : i32
        %get3A_607 = arith.index_cast %get3A_606 : i32 to index
        %get3A_608 = arith.constant 0 : index
        %get3A_609 = tpu.vector_load %arg11[%get3A_607, %get3A_608] {strides = array<i32>} : memref<64x16xi32, #tpu.memory_space<vmem>>, vector<16xi32>,
        %gather3A_610 = tpu.vector_load_idx %arg8[%add3A_439, %get3A_609] : memref<1024x32xf32, #tpu.memory_space<vmem>>[vector<16xi32>, vector<16xi32>], vector<16xf32>,
        %get3A_611 = arith.constant 42 : i32
        %get3A_612 = arith.index_cast %get3A_611 : i32 to index
        %get3A_613 = arith.constant 0 : index
        %get3A_614 = tpu.vector_load %arg11[%get3A_612, %get3A_613] {strides = array<i32>} : memref<64x16xi32, #tpu.memory_space<vmem>>, vector<16xi32>,
        %add3A_615 = vector.broadcast %add3A_476 : i32 to vector<16xi32>
        %add3A_616 = arith.addi %get3A_614, %add3A_615 : vector<16xi32>
        %mul3A_617 = arith.mulf %gather3A_610, %get3A_5 : vector<16xf32>
        %add3A_618 = arith.addf %mul3A_617, %get3A_9 : vector<16xf32>
        tpu.vector_store_idx %arg9[%add3A_616], %add3A_618 : memref<32768xf32, #tpu.memory_space<vmem>>[vector<16xi32>], vector<16xf32>,
        %get3A_619 = arith.constant 11 : i32
        %get3A_620 = arith.index_cast %get3A_619 : i32 to index
        %get3A_621 = arith.constant 0 : index
        %get3A_622 = tpu.vector_load %arg11[%get3A_620, %get3A_621] {strides = array<i32>} : memref<64x16xi32, #tpu.memory_space<vmem>>, vector<16xi32>,
        %gather3A_623 = tpu.vector_load_idx %arg8[%add3A_439, %get3A_622] : memref<1024x32xf32, #tpu.memory_space<vmem>>[vector<16xi32>, vector<16xi32>], vector<16xf32>,
        %get3A_624 = arith.constant 43 : i32
        %get3A_625 = arith.index_cast %get3A_624 : i32 to index
        %get3A_626 = arith.constant 0 : index
        %get3A_627 = tpu.vector_load %arg11[%get3A_625, %get3A_626] {strides = array<i32>} : memref<64x16xi32, #tpu.memory_space<vmem>>, vector<16xi32>,
        %add3A_628 = vector.broadcast %add3A_476 : i32 to vector<16xi32>
        %add3A_629 = arith.addi %get3A_627, %add3A_628 : vector<16xi32>
        %mul3A_630 = arith.mulf %gather3A_623, %get3A_5 : vector<16xf32>
        %add3A_631 = arith.addf %mul3A_630, %get3A_9 : vector<16xf32>
        tpu.vector_store_idx %arg9[%add3A_629], %add3A_631 : memref<32768xf32, #tpu.memory_space<vmem>>[vector<16xi32>], vector<16xf32>,
        %get3A_632 = arith.constant 12 : i32
        %get3A_633 = arith.index_cast %get3A_632 : i32 to index
        %get3A_634 = arith.constant 0 : index
        %get3A_635 = tpu.vector_load %arg11[%get3A_633, %get3A_634] {strides = array<i32>} : memref<64x16xi32, #tpu.memory_space<vmem>>, vector<16xi32>,
        %gather3A_636 = tpu.vector_load_idx %arg8[%add3A_439, %get3A_635] : memref<1024x32xf32, #tpu.memory_space<vmem>>[vector<16xi32>, vector<16xi32>], vector<16xf32>,
        %get3A_637 = arith.constant 44 : i32
        %get3A_638 = arith.index_cast %get3A_637 : i32 to index
        %get3A_639 = arith.constant 0 : index
        %get3A_640 = tpu.vector_load %arg11[%get3A_638, %get3A_639] {strides = array<i32>} : memref<64x16xi32, #tpu.memory_space<vmem>>, vector<16xi32>,
        %add3A_641 = vector.broadcast %add3A_476 : i32 to vector<16xi32>
        %add3A_642 = arith.addi %get3A_640, %add3A_641 : vector<16xi32>
        %mul3A_643 = arith.mulf %gather3A_636, %get3A_5 : vector<16xf32>
        %add3A_644 = arith.addf %mul3A_643, %get3A_9 : vector<16xf32>
        tpu.vector_store_idx %arg9[%add3A_642], %add3A_644 : memref<32768xf32, #tpu.memory_space<vmem>>[vector<16xi32>], vector<16xf32>,
        %get3A_645 = arith.constant 13 : i32
        %get3A_646 = arith.index_cast %get3A_645 : i32 to index
        %get3A_647 = arith.constant 0 : index
        %get3A_648 = tpu.vector_load %arg11[%get3A_646, %get3A_647] {strides = array<i32>} : memref<64x16xi32, #tpu.memory_space<vmem>>, vector<16xi32>,
        %gather3A_649 = tpu.vector_load_idx %arg8[%add3A_439, %get3A_648] : memref<1024x32xf32, #tpu.memory_space<vmem>>[vector<16xi32>, vector<16xi32>], vector<16xf32>,
        %get3A_650 = arith.constant 45 : i32
        %get3A_651 = arith.index_cast %get3A_650 : i32 to index
        %get3A_652 = arith.constant 0 : index
        %get3A_653 = tpu.vector_load %arg11[%get3A_651, %get3A_652] {strides = array<i32>} : memref<64x16xi32, #tpu.memory_space<vmem>>, vector<16xi32>,
        %add3A_654 = vector.broadcast %add3A_476 : i32 to vector<16xi32>
        %add3A_655 = arith.addi %get3A_653, %add3A_654 : vector<16xi32>
        %mul3A_656 = arith.mulf %gather3A_649, %get3A_5 : vector<16xf32>
        %add3A_657 = arith.addf %mul3A_656, %get3A_9 : vector<16xf32>
        tpu.vector_store_idx %arg9[%add3A_655], %add3A_657 : memref<32768xf32, #tpu.memory_space<vmem>>[vector<16xi32>], vector<16xf32>,
        %get3A_658 = arith.constant 14 : i32
        %get3A_659 = arith.index_cast %get3A_658 : i32 to index
        %get3A_660 = arith.constant 0 : index
        %get3A_661 = tpu.vector_load %arg11[%get3A_659, %get3A_660] {strides = array<i32>} : memref<64x16xi32, #tpu.memory_space<vmem>>, vector<16xi32>,
        %gather3A_662 = tpu.vector_load_idx %arg8[%add3A_439, %get3A_661] : memref<1024x32xf32, #tpu.memory_space<vmem>>[vector<16xi32>, vector<16xi32>], vector<16xf32>,
        %get3A_663 = arith.constant 46 : i32
        %get3A_664 = arith.index_cast %get3A_663 : i32 to index
        %get3A_665 = arith.constant 0 : index
        %get3A_666 = tpu.vector_load %arg11[%get3A_664, %get3A_665] {strides = array<i32>} : memref<64x16xi32, #tpu.memory_space<vmem>>, vector<16xi32>,
        %add3A_667 = vector.broadcast %add3A_476 : i32 to vector<16xi32>
        %add3A_668 = arith.addi %get3A_666, %add3A_667 : vector<16xi32>
        %mul3A_669 = arith.mulf %gather3A_662, %get3A_5 : vector<16xf32>
        %add3A_670 = arith.addf %mul3A_669, %get3A_9 : vector<16xf32>
        tpu.vector_store_idx %arg9[%add3A_668], %add3A_670 : memref<32768xf32, #tpu.memory_space<vmem>>[vector<16xi32>], vector<16xf32>,
        %get3A_671 = arith.constant 15 : i32
        %get3A_672 = arith.index_cast %get3A_671 : i32 to index
        %get3A_673 = arith.constant 0 : index
        %get3A_674 = tpu.vector_load %arg11[%get3A_672, %get3A_673] {strides = array<i32>} : memref<64x16xi32, #tpu.memory_space<vmem>>, vector<16xi32>,
        %gather3A_675 = tpu.vector_load_idx %arg8[%add3A_439, %get3A_674] : memref<1024x32xf32, #tpu.memory_space<vmem>>[vector<16xi32>, vector<16xi32>], vector<16xf32>,
        %get3A_676 = arith.constant 47 : i32
        %get3A_677 = arith.index_cast %get3A_676 : i32 to index
        %get3A_678 = arith.constant 0 : index
        %get3A_679 = tpu.vector_load %arg11[%get3A_677, %get3A_678] {strides = array<i32>} : memref<64x16xi32, #tpu.memory_space<vmem>>, vector<16xi32>,
        %add3A_680 = vector.broadcast %add3A_476 : i32 to vector<16xi32>
        %add3A_681 = arith.addi %get3A_679, %add3A_680 : vector<16xi32>
        %mul3A_682 = arith.mulf %gather3A_675, %get3A_5 : vector<16xf32>
        %add3A_683 = arith.addf %mul3A_682, %get3A_9 : vector<16xf32>
        tpu.vector_store_idx %arg9[%add3A_681], %add3A_683 : memref<32768xf32, #tpu.memory_space<vmem>>[vector<16xi32>], vector<16xf32>,
        %get3A_684 = arith.constant 16 : i32
        %get3A_685 = arith.index_cast %get3A_684 : i32 to index
        %get3A_686 = arith.constant 0 : index
        %get3A_687 = tpu.vector_load %arg11[%get3A_685, %get3A_686] {strides = array<i32>} : memref<64x16xi32, #tpu.memory_space<vmem>>, vector<16xi32>,
        %gather3A_688 = tpu.vector_load_idx %arg8[%add3A_439, %get3A_687] : memref<1024x32xf32, #tpu.memory_space<vmem>>[vector<16xi32>, vector<16xi32>], vector<16xf32>,
        %get3A_689 = arith.constant 48 : i32
        %get3A_690 = arith.index_cast %get3A_689 : i32 to index
        %get3A_691 = arith.constant 0 : index
        %get3A_692 = tpu.vector_load %arg11[%get3A_690, %get3A_691] {strides = array<i32>} : memref<64x16xi32, #tpu.memory_space<vmem>>, vector<16xi32>,
        %add3A_693 = vector.broadcast %add3A_476 : i32 to vector<16xi32>
        %add3A_694 = arith.addi %get3A_692, %add3A_693 : vector<16xi32>
        %mul3A_695 = arith.mulf %gather3A_688, %get3A_5 : vector<16xf32>
        %add3A_696 = arith.addf %mul3A_695, %get3A_9 : vector<16xf32>
        tpu.vector_store_idx %arg9[%add3A_694], %add3A_696 : memref<32768xf32, #tpu.memory_space<vmem>>[vector<16xi32>], vector<16xf32>,
        %get3A_697 = arith.constant 17 : i32
        %get3A_698 = arith.index_cast %get3A_697 : i32 to index
        %get3A_699 = arith.constant 0 : index
        %get3A_700 = tpu.vector_load %arg11[%get3A_698, %get3A_699] {strides = array<i32>} : memref<64x16xi32, #tpu.memory_space<vmem>>, vector<16xi32>,
        %gather3A_701 = tpu.vector_load_idx %arg8[%add3A_439, %get3A_700] : memref<1024x32xf32, #tpu.memory_space<vmem>>[vector<16xi32>, vector<16xi32>], vector<16xf32>,
        %get3A_702 = arith.constant 49 : i32
        %get3A_703 = arith.index_cast %get3A_702 : i32 to index
        %get3A_704 = arith.constant 0 : index
        %get3A_705 = tpu.vector_load %arg11[%get3A_703, %get3A_704] {strides = array<i32>} : memref<64x16xi32, #tpu.memory_space<vmem>>, vector<16xi32>,
        %add3A_706 = vector.broadcast %add3A_476 : i32 to vector<16xi32>
        %add3A_707 = arith.addi %get3A_705, %add3A_706 : vector<16xi32>
        %mul3A_708 = arith.mulf %gather3A_701, %get3A_5 : vector<16xf32>
        %add3A_709 = arith.addf %mul3A_708, %get3A_9 : vector<16xf32>
        tpu.vector_store_idx %arg9[%add3A_707], %add3A_709 : memref<32768xf32, #tpu.memory_space<vmem>>[vector<16xi32>], vector<16xf32>,
        %get3A_710 = arith.constant 18 : i32
        %get3A_711 = arith.index_cast %get3A_710 : i32 to index
        %get3A_712 = arith.constant 0 : index
        %get3A_713 = tpu.vector_load %arg11[%get3A_711, %get3A_712] {strides = array<i32>} : memref<64x16xi32, #tpu.memory_space<vmem>>, vector<16xi32>,
        %gather3A_714 = tpu.vector_load_idx %arg8[%add3A_439, %get3A_713] : memref<1024x32xf32, #tpu.memory_space<vmem>>[vector<16xi32>, vector<16xi32>], vector<16xf32>,
        %get3A_715 = arith.constant 50 : i32
        %get3A_716 = arith.index_cast %get3A_715 : i32 to index
        %get3A_717 = arith.constant 0 : index
        %get3A_718 = tpu.vector_load %arg11[%get3A_716, %get3A_717] {strides = array<i32>} : memref<64x16xi32, #tpu.memory_space<vmem>>, vector<16xi32>,
        %add3A_719 = vector.broadcast %add3A_476 : i32 to vector<16xi32>
        %add3A_720 = arith.addi %get3A_718, %add3A_719 : vector<16xi32>
        %mul3A_721 = arith.mulf %gather3A_714, %get3A_5 : vector<16xf32>
        %add3A_722 = arith.addf %mul3A_721, %get3A_9 : vector<16xf32>
        tpu.vector_store_idx %arg9[%add3A_720], %add3A_722 : memref<32768xf32, #tpu.memory_space<vmem>>[vector<16xi32>], vector<16xf32>,
        %get3A_723 = arith.constant 19 : i32
        %get3A_724 = arith.index_cast %get3A_723 : i32 to index
        %get3A_725 = arith.constant 0 : index
        %get3A_726 = tpu.vector_load %arg11[%get3A_724, %get3A_725] {strides = array<i32>} : memref<64x16xi32, #tpu.memory_space<vmem>>, vector<16xi32>,
        %gather3A_727 = tpu.vector_load_idx %arg8[%add3A_439, %get3A_726] : memref<1024x32xf32, #tpu.memory_space<vmem>>[vector<16xi32>, vector<16xi32>], vector<16xf32>,
        %get3A_728 = arith.constant 51 : i32
        %get3A_729 = arith.index_cast %get3A_728 : i32 to index
        %get3A_730 = arith.constant 0 : index
        %get3A_731 = tpu.vector_load %arg11[%get3A_729, %get3A_730] {strides = array<i32>} : memref<64x16xi32, #tpu.memory_space<vmem>>, vector<16xi32>,
        %add3A_732 = vector.broadcast %add3A_476 : i32 to vector<16xi32>
        %add3A_733 = arith.addi %get3A_731, %add3A_732 : vector<16xi32>
        %mul3A_734 = arith.mulf %gather3A_727, %get3A_5 : vector<16xf32>
        %add3A_735 = arith.addf %mul3A_734, %get3A_9 : vector<16xf32>
        tpu.vector_store_idx %arg9[%add3A_733], %add3A_735 : memref<32768xf32, #tpu.memory_space<vmem>>[vector<16xi32>], vector<16xf32>,
        %get3A_736 = arith.constant 20 : i32
        %get3A_737 = arith.index_cast %get3A_736 : i32 to index
        %get3A_738 = arith.constant 0 : index
        %get3A_739 = tpu.vector_load %arg11[%get3A_737, %get3A_738] {strides = array<i32>} : memref<64x16xi32, #tpu.memory_space<vmem>>, vector<16xi32>,
        %gather3A_740 = tpu.vector_load_idx %arg8[%add3A_439, %get3A_739] : memref<1024x32xf32, #tpu.memory_space<vmem>>[vector<16xi32>, vector<16xi32>], vector<16xf32>,
        %get3A_741 = arith.constant 52 : i32
        %get3A_742 = arith.index_cast %get3A_741 : i32 to index
        %get3A_743 = arith.constant 0 : index
        %get3A_744 = tpu.vector_load %arg11[%get3A_742, %get3A_743] {strides = array<i32>} : memref<64x16xi32, #tpu.memory_space<vmem>>, vector<16xi32>,
        %add3A_745 = vector.broadcast %add3A_476 : i32 to vector<16xi32>
        %add3A_746 = arith.addi %get3A_744, %add3A_745 : vector<16xi32>
        %mul3A_747 = arith.mulf %gather3A_740, %get3A_5 : vector<16xf32>
        %add3A_748 = arith.addf %mul3A_747, %get3A_9 : vector<16xf32>
        tpu.vector_store_idx %arg9[%add3A_746], %add3A_748 : memref<32768xf32, #tpu.memory_space<vmem>>[vector<16xi32>], vector<16xf32>,
        %get3A_749 = arith.constant 21 : i32
        %get3A_750 = arith.index_cast %get3A_749 : i32 to index
        %get3A_751 = arith.constant 0 : index
        %get3A_752 = tpu.vector_load %arg11[%get3A_750, %get3A_751] {strides = array<i32>} : memref<64x16xi32, #tpu.memory_space<vmem>>, vector<16xi32>,
        %gather3A_753 = tpu.vector_load_idx %arg8[%add3A_439, %get3A_752] : memref<1024x32xf32, #tpu.memory_space<vmem>>[vector<16xi32>, vector<16xi32>], vector<16xf32>,
        %get3A_754 = arith.constant 53 : i32
        %get3A_755 = arith.index_cast %get3A_754 : i32 to index
        %get3A_756 = arith.constant 0 : index
        %get3A_757 = tpu.vector_load %arg11[%get3A_755, %get3A_756] {strides = array<i32>} : memref<64x16xi32, #tpu.memory_space<vmem>>, vector<16xi32>,
        %add3A_758 = vector.broadcast %add3A_476 : i32 to vector<16xi32>
        %add3A_759 = arith.addi %get3A_757, %add3A_758 : vector<16xi32>
        %mul3A_760 = arith.mulf %gather3A_753, %get3A_5 : vector<16xf32>
        %add3A_761 = arith.addf %mul3A_760, %get3A_9 : vector<16xf32>
        tpu.vector_store_idx %arg9[%add3A_759], %add3A_761 : memref<32768xf32, #tpu.memory_space<vmem>>[vector<16xi32>], vector<16xf32>,
        %get3A_762 = arith.constant 22 : i32
        %get3A_763 = arith.index_cast %get3A_762 : i32 to index
        %get3A_764 = arith.constant 0 : index
        %get3A_765 = tpu.vector_load %arg11[%get3A_763, %get3A_764] {strides = array<i32>} : memref<64x16xi32, #tpu.memory_space<vmem>>, vector<16xi32>,
        %gather3A_766 = tpu.vector_load_idx %arg8[%add3A_439, %get3A_765] : memref<1024x32xf32, #tpu.memory_space<vmem>>[vector<16xi32>, vector<16xi32>], vector<16xf32>,
        %get3A_767 = arith.constant 54 : i32
        %get3A_768 = arith.index_cast %get3A_767 : i32 to index
        %get3A_769 = arith.constant 0 : index
        %get3A_770 = tpu.vector_load %arg11[%get3A_768, %get3A_769] {strides = array<i32>} : memref<64x16xi32, #tpu.memory_space<vmem>>, vector<16xi32>,
        %add3A_771 = vector.broadcast %add3A_476 : i32 to vector<16xi32>
        %add3A_772 = arith.addi %get3A_770, %add3A_771 : vector<16xi32>
        %mul3A_773 = arith.mulf %gather3A_766, %get3A_5 : vector<16xf32>
        %add3A_774 = arith.addf %mul3A_773, %get3A_9 : vector<16xf32>
        tpu.vector_store_idx %arg9[%add3A_772], %add3A_774 : memref<32768xf32, #tpu.memory_space<vmem>>[vector<16xi32>], vector<16xf32>,
        %get3A_775 = arith.constant 23 : i32
        %get3A_776 = arith.index_cast %get3A_775 : i32 to index
        %get3A_777 = arith.constant 0 : index
        %get3A_778 = tpu.vector_load %arg11[%get3A_776, %get3A_777] {strides = array<i32>} : memref<64x16xi32, #tpu.memory_space<vmem>>, vector<16xi32>,
        %gather3A_779 = tpu.vector_load_idx %arg8[%add3A_439, %get3A_778] : memref<1024x32xf32, #tpu.memory_space<vmem>>[vector<16xi32>, vector<16xi32>], vector<16xf32>,
        %get3A_780 = arith.constant 55 : i32
        %get3A_781 = arith.index_cast %get3A_780 : i32 to index
        %get3A_782 = arith.constant 0 : index
        %get3A_783 = tpu.vector_load %arg11[%get3A_781, %get3A_782] {strides = array<i32>} : memref<64x16xi32, #tpu.memory_space<vmem>>, vector<16xi32>,
        %add3A_784 = vector.broadcast %add3A_476 : i32 to vector<16xi32>
        %add3A_785 = arith.addi %get3A_783, %add3A_784 : vector<16xi32>
        %mul3A_786 = arith.mulf %gather3A_779, %get3A_5 : vector<16xf32>
        %add3A_787 = arith.addf %mul3A_786, %get3A_9 : vector<16xf32>
        tpu.vector_store_idx %arg9[%add3A_785], %add3A_787 : memref<32768xf32, #tpu.memory_space<vmem>>[vector<16xi32>], vector<16xf32>,
        %get3A_788 = arith.constant 24 : i32
        %get3A_789 = arith.index_cast %get3A_788 : i32 to index
        %get3A_790 = arith.constant 0 : index
        %get3A_791 = tpu.vector_load %arg11[%get3A_789, %get3A_790] {strides = array<i32>} : memref<64x16xi32, #tpu.memory_space<vmem>>, vector<16xi32>,
        %gather3A_792 = tpu.vector_load_idx %arg8[%add3A_439, %get3A_791] : memref<1024x32xf32, #tpu.memory_space<vmem>>[vector<16xi32>, vector<16xi32>], vector<16xf32>,
        %get3A_793 = arith.constant 56 : i32
        %get3A_794 = arith.index_cast %get3A_793 : i32 to index
        %get3A_795 = arith.constant 0 : index
        %get3A_796 = tpu.vector_load %arg11[%get3A_794, %get3A_795] {strides = array<i32>} : memref<64x16xi32, #tpu.memory_space<vmem>>, vector<16xi32>,
        %add3A_797 = vector.broadcast %add3A_476 : i32 to vector<16xi32>
        %add3A_798 = arith.addi %get3A_796, %add3A_797 : vector<16xi32>
        %mul3A_799 = arith.mulf %gather3A_792, %get3A_5 : vector<16xf32>
        %add3A_800 = arith.addf %mul3A_799, %get3A_9 : vector<16xf32>
        tpu.vector_store_idx %arg9[%add3A_798], %add3A_800 : memref<32768xf32, #tpu.memory_space<vmem>>[vector<16xi32>], vector<16xf32>,
        %get3A_801 = arith.constant 25 : i32
        %get3A_802 = arith.index_cast %get3A_801 : i32 to index
        %get3A_803 = arith.constant 0 : index
        %get3A_804 = tpu.vector_load %arg11[%get3A_802, %get3A_803] {strides = array<i32>} : memref<64x16xi32, #tpu.memory_space<vmem>>, vector<16xi32>,
        %gather3A_805 = tpu.vector_load_idx %arg8[%add3A_439, %get3A_804] : memref<1024x32xf32, #tpu.memory_space<vmem>>[vector<16xi32>, vector<16xi32>], vector<16xf32>,
        %get3A_806 = arith.constant 57 : i32
        %get3A_807 = arith.index_cast %get3A_806 : i32 to index
        %get3A_808 = arith.constant 0 : index
        %get3A_809 = tpu.vector_load %arg11[%get3A_807, %get3A_808] {strides = array<i32>} : memref<64x16xi32, #tpu.memory_space<vmem>>, vector<16xi32>,
        %add3A_810 = vector.broadcast %add3A_476 : i32 to vector<16xi32>
        %add3A_811 = arith.addi %get3A_809, %add3A_810 : vector<16xi32>
        %mul3A_812 = arith.mulf %gather3A_805, %get3A_5 : vector<16xf32>
        %add3A_813 = arith.addf %mul3A_812, %get3A_9 : vector<16xf32>
        tpu.vector_store_idx %arg9[%add3A_811], %add3A_813 : memref<32768xf32, #tpu.memory_space<vmem>>[vector<16xi32>], vector<16xf32>,
        %get3A_814 = arith.constant 26 : i32
        %get3A_815 = arith.index_cast %get3A_814 : i32 to index
        %get3A_816 = arith.constant 0 : index
        %get3A_817 = tpu.vector_load %arg11[%get3A_815, %get3A_816] {strides = array<i32>} : memref<64x16xi32, #tpu.memory_space<vmem>>, vector<16xi32>,
        %gather3A_818 = tpu.vector_load_idx %arg8[%add3A_439, %get3A_817] : memref<1024x32xf32, #tpu.memory_space<vmem>>[vector<16xi32>, vector<16xi32>], vector<16xf32>,
        %get3A_819 = arith.constant 58 : i32
        %get3A_820 = arith.index_cast %get3A_819 : i32 to index
        %get3A_821 = arith.constant 0 : index
        %get3A_822 = tpu.vector_load %arg11[%get3A_820, %get3A_821] {strides = array<i32>} : memref<64x16xi32, #tpu.memory_space<vmem>>, vector<16xi32>,
        %add3A_823 = vector.broadcast %add3A_476 : i32 to vector<16xi32>
        %add3A_824 = arith.addi %get3A_822, %add3A_823 : vector<16xi32>
        %mul3A_825 = arith.mulf %gather3A_818, %get3A_5 : vector<16xf32>
        %add3A_826 = arith.addf %mul3A_825, %get3A_9 : vector<16xf32>
        tpu.vector_store_idx %arg9[%add3A_824], %add3A_826 : memref<32768xf32, #tpu.memory_space<vmem>>[vector<16xi32>], vector<16xf32>,
        %get3A_827 = arith.constant 27 : i32
        %get3A_828 = arith.index_cast %get3A_827 : i32 to index
        %get3A_829 = arith.constant 0 : index
        %get3A_830 = tpu.vector_load %arg11[%get3A_828, %get3A_829] {strides = array<i32>} : memref<64x16xi32, #tpu.memory_space<vmem>>, vector<16xi32>,
        %gather3A_831 = tpu.vector_load_idx %arg8[%add3A_439, %get3A_830] : memref<1024x32xf32, #tpu.memory_space<vmem>>[vector<16xi32>, vector<16xi32>], vector<16xf32>,
        %get3A_832 = arith.constant 59 : i32
        %get3A_833 = arith.index_cast %get3A_832 : i32 to index
        %get3A_834 = arith.constant 0 : index
        %get3A_835 = tpu.vector_load %arg11[%get3A_833, %get3A_834] {strides = array<i32>} : memref<64x16xi32, #tpu.memory_space<vmem>>, vector<16xi32>,
        %add3A_836 = vector.broadcast %add3A_476 : i32 to vector<16xi32>
        %add3A_837 = arith.addi %get3A_835, %add3A_836 : vector<16xi32>
        %mul3A_838 = arith.mulf %gather3A_831, %get3A_5 : vector<16xf32>
        %add3A_839 = arith.addf %mul3A_838, %get3A_9 : vector<16xf32>
        tpu.vector_store_idx %arg9[%add3A_837], %add3A_839 : memref<32768xf32, #tpu.memory_space<vmem>>[vector<16xi32>], vector<16xf32>,
        %get3A_840 = arith.constant 28 : i32
        %get3A_841 = arith.index_cast %get3A_840 : i32 to index
        %get3A_842 = arith.constant 0 : index
        %get3A_843 = tpu.vector_load %arg11[%get3A_841, %get3A_842] {strides = array<i32>} : memref<64x16xi32, #tpu.memory_space<vmem>>, vector<16xi32>,
        %gather3A_844 = tpu.vector_load_idx %arg8[%add3A_439, %get3A_843] : memref<1024x32xf32, #tpu.memory_space<vmem>>[vector<16xi32>, vector<16xi32>], vector<16xf32>,
        %get3A_845 = arith.constant 60 : i32
        %get3A_846 = arith.index_cast %get3A_845 : i32 to index
        %get3A_847 = arith.constant 0 : index
        %get3A_848 = tpu.vector_load %arg11[%get3A_846, %get3A_847] {strides = array<i32>} : memref<64x16xi32, #tpu.memory_space<vmem>>, vector<16xi32>,
        %add3A_849 = vector.broadcast %add3A_476 : i32 to vector<16xi32>
        %add3A_850 = arith.addi %get3A_848, %add3A_849 : vector<16xi32>
        %mul3A_851 = arith.mulf %gather3A_844, %get3A_5 : vector<16xf32>
        %add3A_852 = arith.addf %mul3A_851, %get3A_9 : vector<16xf32>
        tpu.vector_store_idx %arg9[%add3A_850], %add3A_852 : memref<32768xf32, #tpu.memory_space<vmem>>[vector<16xi32>], vector<16xf32>,
        %get3A_853 = arith.constant 29 : i32
        %get3A_854 = arith.index_cast %get3A_853 : i32 to index
        %get3A_855 = arith.constant 0 : index
        %get3A_856 = tpu.vector_load %arg11[%get3A_854, %get3A_855] {strides = array<i32>} : memref<64x16xi32, #tpu.memory_space<vmem>>, vector<16xi32>,
        %gather3A_857 = tpu.vector_load_idx %arg8[%add3A_439, %get3A_856] : memref<1024x32xf32, #tpu.memory_space<vmem>>[vector<16xi32>, vector<16xi32>], vector<16xf32>,
        %get3A_858 = arith.constant 61 : i32
        %get3A_859 = arith.index_cast %get3A_858 : i32 to index
        %get3A_860 = arith.constant 0 : index
        %get3A_861 = tpu.vector_load %arg11[%get3A_859, %get3A_860] {strides = array<i32>} : memref<64x16xi32, #tpu.memory_space<vmem>>, vector<16xi32>,
        %add3A_862 = vector.broadcast %add3A_476 : i32 to vector<16xi32>
        %add3A_863 = arith.addi %get3A_861, %add3A_862 : vector<16xi32>
        %mul3A_864 = arith.mulf %gather3A_857, %get3A_5 : vector<16xf32>
        %add3A_865 = arith.addf %mul3A_864, %get3A_9 : vector<16xf32>
        tpu.vector_store_idx %arg9[%add3A_863], %add3A_865 : memref<32768xf32, #tpu.memory_space<vmem>>[vector<16xi32>], vector<16xf32>,
        %get3A_866 = arith.constant 30 : i32
        %get3A_867 = arith.index_cast %get3A_866 : i32 to index
        %get3A_868 = arith.constant 0 : index
        %get3A_869 = tpu.vector_load %arg11[%get3A_867, %get3A_868] {strides = array<i32>} : memref<64x16xi32, #tpu.memory_space<vmem>>, vector<16xi32>,
        %gather3A_870 = tpu.vector_load_idx %arg8[%add3A_439, %get3A_869] : memref<1024x32xf32, #tpu.memory_space<vmem>>[vector<16xi32>, vector<16xi32>], vector<16xf32>,
        %get3A_871 = arith.constant 62 : i32
        %get3A_872 = arith.index_cast %get3A_871 : i32 to index
        %get3A_873 = arith.constant 0 : index
        %get3A_874 = tpu.vector_load %arg11[%get3A_872, %get3A_873] {strides = array<i32>} : memref<64x16xi32, #tpu.memory_space<vmem>>, vector<16xi32>,
        %add3A_875 = vector.broadcast %add3A_476 : i32 to vector<16xi32>
        %add3A_876 = arith.addi %get3A_874, %add3A_875 : vector<16xi32>
        %mul3A_877 = arith.mulf %gather3A_870, %get3A_5 : vector<16xf32>
        %add3A_878 = arith.addf %mul3A_877, %get3A_9 : vector<16xf32>
        tpu.vector_store_idx %arg9[%add3A_876], %add3A_878 : memref<32768xf32, #tpu.memory_space<vmem>>[vector<16xi32>], vector<16xf32>,
        %get3A_879 = arith.constant 31 : i32
        %get3A_880 = arith.index_cast %get3A_879 : i32 to index
        %get3A_881 = arith.constant 0 : index
        %get3A_882 = tpu.vector_load %arg11[%get3A_880, %get3A_881] {strides = array<i32>} : memref<64x16xi32, #tpu.memory_space<vmem>>, vector<16xi32>,
        %gather3A_883 = tpu.vector_load_idx %arg8[%add3A_439, %get3A_882] : memref<1024x32xf32, #tpu.memory_space<vmem>>[vector<16xi32>, vector<16xi32>], vector<16xf32>,
        %get3A_884 = arith.constant 63 : i32
        %get3A_885 = arith.index_cast %get3A_884 : i32 to index
        %get3A_886 = arith.constant 0 : index
        %get3A_887 = tpu.vector_load %arg11[%get3A_885, %get3A_886] {strides = array<i32>} : memref<64x16xi32, #tpu.memory_space<vmem>>, vector<16xi32>,
        %add3A_888 = vector.broadcast %add3A_476 : i32 to vector<16xi32>
        %add3A_889 = arith.addi %get3A_887, %add3A_888 : vector<16xi32>
        %mul3A_890 = arith.mulf %gather3A_883, %get3A_5 : vector<16xf32>
        %add3A_891 = arith.addf %mul3A_890, %get3A_9 : vector<16xf32>
        tpu.vector_store_idx %arg9[%add3A_889], %add3A_891 : memref<32768xf32, #tpu.memory_space<vmem>>[vector<16xi32>], vector<16xf32>,
      }
      %scan3A_310 = arith.constant 32 : i32
      %add3A_311 = arith.constant 1 : i32
      %add3A_312 = arith.addi %mul3A_20, %add3A_311 : i32
      %mul3A_313 = arith.constant 1024 : i32
      %mul3A_314 = arith.muli %mul3A_2, %mul3A_313 : i32
      %dma_start3A_315 = arith.constant 0 : i32
      %dma_start3A_316 = arith.constant 16384 : i32
      %dma_start3A_317 = tpu.memref_slice %arg9[%dma_start3A_316] : memref<32768xf32, #tpu.memory_space<vmem>> -> memref<4096xf32, #tpu.memory_space<vmem>>
      %dma_start3A_318 = tpu.memref_slice %arg6[%add3A_312, %dma_start3A_315, %mul3A_314] : memref<50x4x131072xf32, #tpu.memory_space<hbm>> -> memref<1x1x4096xf32, #tpu.memory_space<hbm>>
      %dma_start3A_319 = tpu.memref_squeeze %dma_start3A_318 : memref<1x1x4096xf32, #tpu.memory_space<hbm>> -> memref<4096xf32, #tpu.memory_space<hbm>>
      %dma_start3A_320 = tpu.memref_slice %arg6[%add3A_312, %dma_start3A_315, %mul3A_314] : memref<50x4x131072xf32, #tpu.memory_space<hbm>> -> memref<1x1x4096xf32, #tpu.memory_space<hbm>>
      %dma_start3A_321 = tpu.memref_squeeze %dma_start3A_320 : memref<1x1x4096xf32, #tpu.memory_space<hbm>> -> memref<4096xf32, #tpu.memory_space<hbm>>
      %dma_start3A_322 = arith.constant 16384 : i32
      %dma_start3A_323 = tpu.memref_slice %arg9[%dma_start3A_322] : memref<32768xf32, #tpu.memory_space<vmem>> -> memref<4096xf32, #tpu.memory_space<vmem>>
      tpu.enqueue_dma source(%dma_start3A_323 : memref<4096xf32, #tpu.memory_space<vmem>>) target(%dma_start3A_321 : memref<4096xf32, #tpu.memory_space<hbm>>) target_semaphore(%arg14 : memref<!tpu.dma_semaphore, #tpu.memory_space<semaphore_mem>>)
      %mul3A_324 = arith.constant 1024 : i32
      %mul3A_325 = arith.muli %mul3A_2, %mul3A_324 : i32
      %dma_start3A_326 = arith.constant 1 : i32
      %dma_start3A_327 = arith.constant 20480 : i32
      %dma_start3A_328 = tpu.memref_slice %arg9[%dma_start3A_327] : memref<32768xf32, #tpu.memory_space<vmem>> -> memref<4096xf32, #tpu.memory_space<vmem>>
      %dma_start3A_329 = tpu.memref_slice %arg6[%add3A_312, %dma_start3A_326, %mul3A_325] : memref<50x4x131072xf32, #tpu.memory_space<hbm>> -> memref<1x1x4096xf32, #tpu.memory_space<hbm>>
      %dma_start3A_330 = tpu.memref_squeeze %dma_start3A_329 : memref<1x1x4096xf32, #tpu.memory_space<hbm>> -> memref<4096xf32, #tpu.memory_space<hbm>>
      %dma_start3A_331 = tpu.memref_slice %arg6[%add3A_312, %dma_start3A_326, %mul3A_325] : memref<50x4x131072xf32, #tpu.memory_space<hbm>> -> memref<1x1x4096xf32, #tpu.memory_space<hbm>>
      %dma_start3A_332 = tpu.memref_squeeze %dma_start3A_331 : memref<1x1x4096xf32, #tpu.memory_space<hbm>> -> memref<4096xf32, #tpu.memory_space<hbm>>
      %dma_start3A_333 = arith.constant 20480 : i32
      %dma_start3A_334 = tpu.memref_slice %arg9[%dma_start3A_333] : memref<32768xf32, #tpu.memory_space<vmem>> -> memref<4096xf32, #tpu.memory_space<vmem>>
      tpu.enqueue_dma source(%dma_start3A_334 : memref<4096xf32, #tpu.memory_space<vmem>>) target(%dma_start3A_332 : memref<4096xf32, #tpu.memory_space<hbm>>) target_semaphore(%arg14 : memref<!tpu.dma_semaphore, #tpu.memory_space<semaphore_mem>>)
      %mul3A_335 = arith.constant 1024 : i32
      %mul3A_336 = arith.muli %mul3A_2, %mul3A_335 : i32
      %dma_start3A_337 = arith.constant 2 : i32
      %dma_start3A_338 = arith.constant 24576 : i32
      %dma_start3A_339 = tpu.memref_slice %arg9[%dma_start3A_338] : memref<32768xf32, #tpu.memory_space<vmem>> -> memref<4096xf32, #tpu.memory_space<vmem>>
      %dma_start3A_340 = tpu.memref_slice %arg6[%add3A_312, %dma_start3A_337, %mul3A_336] : memref<50x4x131072xf32, #tpu.memory_space<hbm>> -> memref<1x1x4096xf32, #tpu.memory_space<hbm>>
      %dma_start3A_341 = tpu.memref_squeeze %dma_start3A_340 : memref<1x1x4096xf32, #tpu.memory_space<hbm>> -> memref<4096xf32, #tpu.memory_space<hbm>>
      %dma_start3A_342 = tpu.memref_slice %arg6[%add3A_312, %dma_start3A_337, %mul3A_336] : memref<50x4x131072xf32, #tpu.memory_space<hbm>> -> memref<1x1x4096xf32, #tpu.memory_space<hbm>>
      %dma_start3A_343 = tpu.memref_squeeze %dma_start3A_342 : memref<1x1x4096xf32, #tpu.memory_space<hbm>> -> memref<4096xf32, #tpu.memory_space<hbm>>
      %dma_start3A_344 = arith.constant 24576 : i32
      %dma_start3A_345 = tpu.memref_slice %arg9[%dma_start3A_344] : memref<32768xf32, #tpu.memory_space<vmem>> -> memref<4096xf32, #tpu.memory_space<vmem>>
      tpu.enqueue_dma source(%dma_start3A_345 : memref<4096xf32, #tpu.memory_space<vmem>>) target(%dma_start3A_343 : memref<4096xf32, #tpu.memory_space<hbm>>) target_semaphore(%arg14 : memref<!tpu.dma_semaphore, #tpu.memory_space<semaphore_mem>>)
      %mul3A_346 = arith.constant 1024 : i32
      %mul3A_347 = arith.muli %mul3A_2, %mul3A_346 : i32
      %dma_start3A_348 = arith.constant 3 : i32
      %dma_start3A_349 = arith.constant 28672 : i32
      %dma_start3A_350 = tpu.memref_slice %arg9[%dma_start3A_349] : memref<32768xf32, #tpu.memory_space<vmem>> -> memref<4096xf32, #tpu.memory_space<vmem>>
      %dma_start3A_351 = tpu.memref_slice %arg6[%add3A_312, %dma_start3A_348, %mul3A_347] : memref<50x4x131072xf32, #tpu.memory_space<hbm>> -> memref<1x1x4096xf32, #tpu.memory_space<hbm>>
      %dma_start3A_352 = tpu.memref_squeeze %dma_start3A_351 : memref<1x1x4096xf32, #tpu.memory_space<hbm>> -> memref<4096xf32, #tpu.memory_space<hbm>>
      %dma_start3A_353 = tpu.memref_slice %arg6[%add3A_312, %dma_start3A_348, %mul3A_347] : memref<50x4x131072xf32, #tpu.memory_space<hbm>> -> memref<1x1x4096xf32, #tpu.memory_space<hbm>>
      %dma_start3A_354 = tpu.memref_squeeze %dma_start3A_353 : memref<1x1x4096xf32, #tpu.memory_space<hbm>> -> memref<4096xf32, #tpu.memory_space<hbm>>
      %dma_start3A_355 = arith.constant 28672 : i32
      %dma_start3A_356 = tpu.memref_slice %arg9[%dma_start3A_355] : memref<32768xf32, #tpu.memory_space<vmem>> -> memref<4096xf32, #tpu.memory_space<vmem>>
      tpu.enqueue_dma source(%dma_start3A_356 : memref<4096xf32, #tpu.memory_space<vmem>>) target(%dma_start3A_354 : memref<4096xf32, #tpu.memory_space<hbm>>) target_semaphore(%arg14 : memref<!tpu.dma_semaphore, #tpu.memory_space<semaphore_mem>>)
      %dma_wait3A_357 = arith.constant 0 : i32
      %dma_wait3A_358 = arith.constant 0 : i32
      %dma_wait3A_359 = tpu.memref_slice %arg9[%dma_wait3A_358] : memref<32768xf32, #tpu.memory_space<vmem>> -> memref<4096xf32, #tpu.memory_space<vmem>>
      %dma_wait3A_360 = tpu.memref_slice %arg6[%mul3A_20, %dma_wait3A_357, %mul3A_219] : memref<50x4x131072xf32, #tpu.memory_space<hbm>> -> memref<1x1x4096xf32, #tpu.memory_space<hbm>>
      %dma_wait3A_361 = tpu.memref_squeeze %dma_wait3A_360 : memref<1x1x4096xf32, #tpu.memory_space<hbm>> -> memref<4096xf32, #tpu.memory_space<hbm>>
      %dma_wait3A_362 = tpu.memref_slice %arg6[%mul3A_20, %dma_wait3A_357, %mul3A_219] : memref<50x4x131072xf32, #tpu.memory_space<hbm>> -> memref<1x1x4096xf32, #tpu.memory_space<hbm>>
      %dma_wait3A_363 = tpu.memref_squeeze %dma_wait3A_362 : memref<1x1x4096xf32, #tpu.memory_space<hbm>> -> memref<4096xf32, #tpu.memory_space<hbm>>
      %dma_wait3A_364 = arith.constant 0 : i32
      %dma_wait3A_365 = tpu.memref_slice %arg9[%dma_wait3A_364] : memref<32768xf32, #tpu.memory_space<vmem>> -> memref<4096xf32, #tpu.memory_space<vmem>>
      tpu.wait_dma2 semaphore(%arg14 : memref<!tpu.dma_semaphore, #tpu.memory_space<semaphore_mem>>) src(%dma_wait3A_365 : memref<4096xf32, #tpu.memory_space<vmem>>) dst(%dma_wait3A_363 : memref<4096xf32, #tpu.memory_space<hbm>>)
      %dma_wait3A_366 = arith.constant 1 : i32
      %dma_wait3A_367 = arith.constant 4096 : i32
      %dma_wait3A_368 = tpu.memref_slice %arg9[%dma_wait3A_367] : memref<32768xf32, #tpu.memory_space<vmem>> -> memref<4096xf32, #tpu.memory_space<vmem>>
      %dma_wait3A_369 = tpu.memref_slice %arg6[%mul3A_20, %dma_wait3A_366, %mul3A_230] : memref<50x4x131072xf32, #tpu.memory_space<hbm>> -> memref<1x1x4096xf32, #tpu.memory_space<hbm>>
      %dma_wait3A_370 = tpu.memref_squeeze %dma_wait3A_369 : memref<1x1x4096xf32, #tpu.memory_space<hbm>> -> memref<4096xf32, #tpu.memory_space<hbm>>
      %dma_wait3A_371 = tpu.memref_slice %arg6[%mul3A_20, %dma_wait3A_366, %mul3A_230] : memref<50x4x131072xf32, #tpu.memory_space<hbm>> -> memref<1x1x4096xf32, #tpu.memory_space<hbm>>
      %dma_wait3A_372 = tpu.memref_squeeze %dma_wait3A_371 : memref<1x1x4096xf32, #tpu.memory_space<hbm>> -> memref<4096xf32, #tpu.memory_space<hbm>>
      %dma_wait3A_373 = arith.constant 4096 : i32
      %dma_wait3A_374 = tpu.memref_slice %arg9[%dma_wait3A_373] : memref<32768xf32, #tpu.memory_space<vmem>> -> memref<4096xf32, #tpu.memory_space<vmem>>
      tpu.wait_dma2 semaphore(%arg14 : memref<!tpu.dma_semaphore, #tpu.memory_space<semaphore_mem>>) src(%dma_wait3A_374 : memref<4096xf32, #tpu.memory_space<vmem>>) dst(%dma_wait3A_372 : memref<4096xf32, #tpu.memory_space<hbm>>)
      %dma_wait3A_375 = arith.constant 2 : i32
      %dma_wait3A_376 = arith.constant 8192 : i32
      %dma_wait3A_377 = tpu.memref_slice %arg9[%dma_wait3A_376] : memref<32768xf32, #tpu.memory_space<vmem>> -> memref<4096xf32, #tpu.memory_space<vmem>>
      %dma_wait3A_378 = tpu.memref_slice %arg6[%mul3A_20, %dma_wait3A_375, %mul3A_241] : memref<50x4x131072xf32, #tpu.memory_space<hbm>> -> memref<1x1x4096xf32, #tpu.memory_space<hbm>>
      %dma_wait3A_379 = tpu.memref_squeeze %dma_wait3A_378 : memref<1x1x4096xf32, #tpu.memory_space<hbm>> -> memref<4096xf32, #tpu.memory_space<hbm>>
      %dma_wait3A_380 = tpu.memref_slice %arg6[%mul3A_20, %dma_wait3A_375, %mul3A_241] : memref<50x4x131072xf32, #tpu.memory_space<hbm>> -> memref<1x1x4096xf32, #tpu.memory_space<hbm>>
      %dma_wait3A_381 = tpu.memref_squeeze %dma_wait3A_380 : memref<1x1x4096xf32, #tpu.memory_space<hbm>> -> memref<4096xf32, #tpu.memory_space<hbm>>
      %dma_wait3A_382 = arith.constant 8192 : i32
      %dma_wait3A_383 = tpu.memref_slice %arg9[%dma_wait3A_382] : memref<32768xf32, #tpu.memory_space<vmem>> -> memref<4096xf32, #tpu.memory_space<vmem>>
      tpu.wait_dma2 semaphore(%arg14 : memref<!tpu.dma_semaphore, #tpu.memory_space<semaphore_mem>>) src(%dma_wait3A_383 : memref<4096xf32, #tpu.memory_space<vmem>>) dst(%dma_wait3A_381 : memref<4096xf32, #tpu.memory_space<hbm>>)
      %dma_wait3A_384 = arith.constant 3 : i32
      %dma_wait3A_385 = arith.constant 12288 : i32
      %dma_wait3A_386 = tpu.memref_slice %arg9[%dma_wait3A_385] : memref<32768xf32, #tpu.memory_space<vmem>> -> memref<4096xf32, #tpu.memory_space<vmem>>
      %dma_wait3A_387 = tpu.memref_slice %arg6[%mul3A_20, %dma_wait3A_384, %mul3A_252] : memref<50x4x131072xf32, #tpu.memory_space<hbm>> -> memref<1x1x4096xf32, #tpu.memory_space<hbm>>
      %dma_wait3A_388 = tpu.memref_squeeze %dma_wait3A_387 : memref<1x1x4096xf32, #tpu.memory_space<hbm>> -> memref<4096xf32, #tpu.memory_space<hbm>>
      %dma_wait3A_389 = tpu.memref_slice %arg6[%mul3A_20, %dma_wait3A_384, %mul3A_252] : memref<50x4x131072xf32, #tpu.memory_space<hbm>> -> memref<1x1x4096xf32, #tpu.memory_space<hbm>>
      %dma_wait3A_390 = tpu.memref_squeeze %dma_wait3A_389 : memref<1x1x4096xf32, #tpu.memory_space<hbm>> -> memref<4096xf32, #tpu.memory_space<hbm>>
      %dma_wait3A_391 = arith.constant 12288 : i32
      %dma_wait3A_392 = tpu.memref_slice %arg9[%dma_wait3A_391] : memref<32768xf32, #tpu.memory_space<vmem>> -> memref<4096xf32, #tpu.memory_space<vmem>>
      tpu.wait_dma2 semaphore(%arg14 : memref<!tpu.dma_semaphore, #tpu.memory_space<semaphore_mem>>) src(%dma_wait3A_392 : memref<4096xf32, #tpu.memory_space<vmem>>) dst(%dma_wait3A_390 : memref<4096xf32, #tpu.memory_space<hbm>>)
      %dma_wait3A_393 = arith.constant 0 : i32
      %dma_wait3A_394 = arith.constant 16384 : i32
      %dma_wait3A_395 = tpu.memref_slice %arg9[%dma_wait3A_394] : memref<32768xf32, #tpu.memory_space<vmem>> -> memref<4096xf32, #tpu.memory_space<vmem>>
      %dma_wait3A_396 = tpu.memref_slice %arg6[%add3A_312, %dma_wait3A_393, %mul3A_314] : memref<50x4x131072xf32, #tpu.memory_space<hbm>> -> memref<1x1x4096xf32, #tpu.memory_space<hbm>>
      %dma_wait3A_397 = tpu.memref_squeeze %dma_wait3A_396 : memref<1x1x4096xf32, #tpu.memory_space<hbm>> -> memref<4096xf32, #tpu.memory_space<hbm>>
      %dma_wait3A_398 = tpu.memref_slice %arg6[%add3A_312, %dma_wait3A_393, %mul3A_314] : memref<50x4x131072xf32, #tpu.memory_space<hbm>> -> memref<1x1x4096xf32, #tpu.memory_space<hbm>>
      %dma_wait3A_399 = tpu.memref_squeeze %dma_wait3A_398 : memref<1x1x4096xf32, #tpu.memory_space<hbm>> -> memref<4096xf32, #tpu.memory_space<hbm>>
      %dma_wait3A_400 = arith.constant 16384 : i32
      %dma_wait3A_401 = tpu.memref_slice %arg9[%dma_wait3A_400] : memref<32768xf32, #tpu.memory_space<vmem>> -> memref<4096xf32, #tpu.memory_space<vmem>>
      tpu.wait_dma2 semaphore(%arg14 : memref<!tpu.dma_semaphore, #tpu.memory_space<semaphore_mem>>) src(%dma_wait3A_401 : memref<4096xf32, #tpu.memory_space<vmem>>) dst(%dma_wait3A_399 : memref<4096xf32, #tpu.memory_space<hbm>>)
      %dma_wait3A_402 = arith.constant 1 : i32
      %dma_wait3A_403 = arith.constant 20480 : i32
      %dma_wait3A_404 = tpu.memref_slice %arg9[%dma_wait3A_403] : memref<32768xf32, #tpu.memory_space<vmem>> -> memref<4096xf32, #tpu.memory_space<vmem>>
      %dma_wait3A_405 = tpu.memref_slice %arg6[%add3A_312, %dma_wait3A_402, %mul3A_325] : memref<50x4x131072xf32, #tpu.memory_space<hbm>> -> memref<1x1x4096xf32, #tpu.memory_space<hbm>>
      %dma_wait3A_406 = tpu.memref_squeeze %dma_wait3A_405 : memref<1x1x4096xf32, #tpu.memory_space<hbm>> -> memref<4096xf32, #tpu.memory_space<hbm>>
      %dma_wait3A_407 = tpu.memref_slice %arg6[%add3A_312, %dma_wait3A_402, %mul3A_325] : memref<50x4x131072xf32, #tpu.memory_space<hbm>> -> memref<1x1x4096xf32, #tpu.memory_space<hbm>>
      %dma_wait3A_408 = tpu.memref_squeeze %dma_wait3A_407 : memref<1x1x4096xf32, #tpu.memory_space<hbm>> -> memref<4096xf32, #tpu.memory_space<hbm>>
      %dma_wait3A_409 = arith.constant 20480 : i32
      %dma_wait3A_410 = tpu.memref_slice %arg9[%dma_wait3A_409] : memref<32768xf32, #tpu.memory_space<vmem>> -> memref<4096xf32, #tpu.memory_space<vmem>>
      tpu.wait_dma2 semaphore(%arg14 : memref<!tpu.dma_semaphore, #tpu.memory_space<semaphore_mem>>) src(%dma_wait3A_410 : memref<4096xf32, #tpu.memory_space<vmem>>) dst(%dma_wait3A_408 : memref<4096xf32, #tpu.memory_space<hbm>>)
      %dma_wait3A_411 = arith.constant 2 : i32
      %dma_wait3A_412 = arith.constant 24576 : i32
      %dma_wait3A_413 = tpu.memref_slice %arg9[%dma_wait3A_412] : memref<32768xf32, #tpu.memory_space<vmem>> -> memref<4096xf32, #tpu.memory_space<vmem>>
      %dma_wait3A_414 = tpu.memref_slice %arg6[%add3A_312, %dma_wait3A_411, %mul3A_336] : memref<50x4x131072xf32, #tpu.memory_space<hbm>> -> memref<1x1x4096xf32, #tpu.memory_space<hbm>>
      %dma_wait3A_415 = tpu.memref_squeeze %dma_wait3A_414 : memref<1x1x4096xf32, #tpu.memory_space<hbm>> -> memref<4096xf32, #tpu.memory_space<hbm>>
      %dma_wait3A_416 = tpu.memref_slice %arg6[%add3A_312, %dma_wait3A_411, %mul3A_336] : memref<50x4x131072xf32, #tpu.memory_space<hbm>> -> memref<1x1x4096xf32, #tpu.memory_space<hbm>>
      %dma_wait3A_417 = tpu.memref_squeeze %dma_wait3A_416 : memref<1x1x4096xf32, #tpu.memory_space<hbm>> -> memref<4096xf32, #tpu.memory_space<hbm>>
      %dma_wait3A_418 = arith.constant 24576 : i32
      %dma_wait3A_419 = tpu.memref_slice %arg9[%dma_wait3A_418] : memref<32768xf32, #tpu.memory_space<vmem>> -> memref<4096xf32, #tpu.memory_space<vmem>>
      tpu.wait_dma2 semaphore(%arg14 : memref<!tpu.dma_semaphore, #tpu.memory_space<semaphore_mem>>) src(%dma_wait3A_419 : memref<4096xf32, #tpu.memory_space<vmem>>) dst(%dma_wait3A_417 : memref<4096xf32, #tpu.memory_space<hbm>>)
      %dma_wait3A_420 = arith.constant 3 : i32
      %dma_wait3A_421 = arith.constant 28672 : i32
      %dma_wait3A_422 = tpu.memref_slice %arg9[%dma_wait3A_421] : memref<32768xf32, #tpu.memory_space<vmem>> -> memref<4096xf32, #tpu.memory_space<vmem>>
      %dma_wait3A_423 = tpu.memref_slice %arg6[%add3A_312, %dma_wait3A_420, %mul3A_347] : memref<50x4x131072xf32, #tpu.memory_space<hbm>> -> memref<1x1x4096xf32, #tpu.memory_space<hbm>>
      %dma_wait3A_424 = tpu.memref_squeeze %dma_wait3A_423 : memref<1x1x4096xf32, #tpu.memory_space<hbm>> -> memref<4096xf32, #tpu.memory_space<hbm>>
      %dma_wait3A_425 = tpu.memref_slice %arg6[%add3A_312, %dma_wait3A_420, %mul3A_347] : memref<50x4x131072xf32, #tpu.memory_space<hbm>> -> memref<1x1x4096xf32, #tpu.memory_space<hbm>>
      %dma_wait3A_426 = tpu.memref_squeeze %dma_wait3A_425 : memref<1x1x4096xf32, #tpu.memory_space<hbm>> -> memref<4096xf32, #tpu.memory_space<hbm>>
      %dma_wait3A_427 = arith.constant 28672 : i32
      %dma_wait3A_428 = tpu.memref_slice %arg9[%dma_wait3A_427] : memref<32768xf32, #tpu.memory_space<vmem>> -> memref<4096xf32, #tpu.memory_space<vmem>>
      tpu.wait_dma2 semaphore(%arg14 : memref<!tpu.dma_semaphore, #tpu.memory_space<semaphore_mem>>) src(%dma_wait3A_428 : memref<4096xf32, #tpu.memory_space<vmem>>) dst(%dma_wait3A_426 : memref<4096xf32, #tpu.memory_space<hbm>>)
    }
    %scan3A_13 = arith.constant 25 : i32
    return
  }
}

</mosaic_0001>

<sc_bundles>
// kernel: kernel.3.cloned.1.call-start
scs
__scs_entry_jumppad:
0x0: {  	(pc) =	sbr.rel $0x88, $3  }
0x1: {  	(tag) =	ssettag $0x0;
	lr =	simm.s32 $0x1  }
0x2: {  	[smem:$0x3F9D] =	sst lr;
	_ =	strace $0xD0000000  }
0x3: {  	_ = 	snop  }
0x4: {  	_ = 	snop  }
0x5: {  	_ = 	snop  }
0x6: {  	_ = 	snop  }
0x7: {  	_ = 	snop  }
__scs_overlays_trampoline_lowered:
0x8: {  	[smem:$0x3FAC] =	sst s0  }
0x9: {  	[smem:$0x3FAD] =	sst s1  }
0xa: {  	[smem:$0x3FAE] =	sst s2  }
0xb: {  	[smem:$0x3FAF] =	sst s3  }
0xc: {  	[smem:$0x3FB0] =	sst s4  }
0xd: {  	[smem:$0x3FB1] =	sst s5  }
0xe: {  	[smem:$0x3FB2] =	sst s6  }
0xf: {  	[smem:$0x3FB3] =	sst s7  }
0x10: {  	[smem:$0x3FB4] =	sst s8  }
0x11: {  	[smem:$0x3FB5] =	sst s9;
	s0 =	simm.s32 @!p0 $0x0  }
0x12: {  	s1 =	sld [smem:$0x3F9B];
	s0 =	simm.s32 @p0 $0x1  }
0x13: {  	[smem:$0x3FB6] =	sst s0;
	s0 =	simm.s32 @!p1 $0x0  }
0x14: {  	s2 =	sld [smem:$0x3F9A];
	s0 =	simm.s32 @p1 $0x1  }
0x15: {  	[smem:$0x3FB7] =	sst s0;
	s0 =	simm.s32 @!p2 $0x0  }
0x16: {  	s3 =	sld [smem:$0x3FDB];
	s0 =	simm.s32 @p2 $0x1  }
0x17: {  	s4 =	simm.s32 $0x1BF5;
	[smem:$0x3FB9] =	sst s0  }
0x18: {  	s0 =	sld [smem:$0x3F9C];
	_ =	swait.ge [sflag:s4], $0x0  }
0x19: {  	s7 =	sld [smem:$0x3F9D]  }
0x1a: {  	s8 =	sadd.s32 $0xFFFFE003, lr  }
0x1b: {  	s9 =	sadd.s32 $0xFFFFFEF7, lr;
	s5 =	simm.s32 $0xFFFFFFFF;
	p2 =	slt.u32 s8, $0xFFFFF086  }
0x1c: {  	p1 =	slt.u32 s9, $0xF7A;
	s5 =	simm.s32 @!p2 $0x0  }
0x1d: {  	s5 =	simm.s32 @p1 $0x1;
	p0 =	seq.s32 s7, s2  }
0x1e: {  	s7 =	smul.u32 @!p0 $0xF7A, s2;
	p2 =	seq.s32 @!p0 s5, $0x0  }
0x1f: {  	s9 =	smul.u32 $0xF7A, s1;
	s8 =	simm.s32 @!p0 $0x1BF5;
	p2 =	por !p2, p0  }
0x20: {  	[sflag:s8] =	ssyncset.s32 @!p0 $0xFFFFF086;
	s6 =	sadd.s32 @!p0 s3, s7;
	s7 =	simm.s32 @!p0 $0x108  }
0x21: {  	s3 =	sadd.s32 s3, s9;
	s6 =	sadd.s32 @!p0 $0x88, s6;
	s7 =	simm.s32 @p2 $0x1082  }
0x22: {  	[simem:s7], [sflag:s8] =	dma.local @!p0 [hbm:s6], $0xF7A  }
0x23: {  	s9 =	sor.u32 $0xD0000000, s2;
	s6 =	simm.s32 $0x108;
	_ =	swait.ge @!p0 [sflag:s8], $0x0  }
0x24: {  	s3 =	sadd.s32 $0x88, s3;
	s6 =	simm.s32 @!p1 $0x1082;
	[sflag:s4] =	ssyncset.s32 $0xFFFFF086  }
0x25: {  	[simem:s6], [sflag:s4] =	dma.local [hbm:s3], $0xF7A  }
0x26: {  	[smem:$0x3F9D] =	sst s1;
	(tag) =	ssettag s2;
	_ =	strace s9  }
0x27: {  	s1 =	sld [smem:$0x3FAD]  }
0x28: {  	s2 =	sld [smem:$0x3FAE]  }
0x29: {  	s4 =	sld [smem:$0x3FB0]  }
0x2a: {  	p0 =	seq.s32 s5, $0x0;
	s5 =	sld [smem:$0x3FB1]  }
0x2b: {  	s6 =	sld [smem:$0x3FB2]  }
0x2c: {  	s7 =	sld [smem:$0x3FB3]  }
0x2d: {  	s3 =	simm.s32 $0x108;
	s8 =	sld [smem:$0x3FB4]  }
0x2e: {  	s3 =	simm.s32 @!p0 $0x1082;
	s9 =	sld [smem:$0x3FB5]  }
0x2f: {  	lr =	sadd.s32 s0, s3;
	s0 =	sld [smem:$0x3FAC]  }
0x30: {  	s3 =	sld [smem:$0x3FAF]  }
0x31: {  	[smem:$0x3FB8] =	sst s10  }
0x32: {  	s10 =	sld [smem:$0x3FB6];
	_ =	sdelay $0x3  }
0x33: {  	p0 =	seq.s32 s10, $0x1;
	s10 =	sld [smem:$0x3FB8];
	_ =	sdelay $0x3  }
0x34: {  	[smem:$0x3FB8] =	sst s10  }
0x35: {  	s10 =	sld [smem:$0x3FB7];
	_ =	sdelay $0x3  }
0x36: {  	p1 =	seq.s32 s10, $0x1;
	s10 =	sld [smem:$0x3FB8];
	_ =	sdelay $0x3  }
0x37: {  	[smem:$0x3FB8] =	sst s10  }
0x38: {  	s10 =	sld [smem:$0x3FB9]  }
0x39: {  	_ = 	snop;
	(pc) =	sbr.ind lr, $3  }
0x3a: {  	_ = 	snop  }
0x3b: {  	_ = 	snop  }
0x3c: {  	p2 =	seq.s32 s10, $0x1;
	s10 =	sld [smem:$0x3FB8]  }
0x3d: {  	_ =	shalt  }
0x3e: {  	_ =	shalt  }
0x3f: {  	_ =	shalt  }
0x40: {  	_ =	shalt  }
0x41: {  	_ =	shalt  }
0x42: {  	_ =	shalt  }
0x43: {  	_ =	shalt  }
0x44: {  	_ =	shalt  }
0x45: {  	_ =	shalt  }
0x46: {  	_ =	shalt  }
0x47: {  	_ =	shalt  }
0x48: {  	_ =	shalt  }
0x49: {  	_ =	shalt  }
0x4a: {  	_ =	shalt  }
0x4b: {  	_ =	shalt  }
0x4c: {  	_ =	shalt  }
0x4d: {  	_ =	shalt  }
0x4e: {  	_ =	shalt  }
0x4f: {  	_ =	shalt  }
0x50: {  	_ =	shalt  }
0x51: {  	_ =	shalt  }
0x52: {  	_ =	shalt  }
0x53: {  	_ =	shalt  }
0x54: {  	_ =	shalt  }
0x55: {  	_ =	shalt  }
0x56: {  	_ =	shalt  }
0x57: {  	_ =	shalt  }
0x58: {  	_ =	shalt  }
0x59: {  	_ =	shalt  }
0x5a: {  	_ =	shalt  }
0x5b: {  	_ =	shalt  }
0x5c: {  	_ =	shalt  }
0x5d: {  	_ =	shalt  }
0x5e: {  	_ =	shalt  }
0x5f: {  	_ =	shalt  }
0x60: {  	_ =	shalt  }
0x61: {  	_ =	shalt  }
0x62: {  	_ =	shalt  }
0x63: {  	_ =	shalt  }
0x64: {  	_ =	shalt  }
0x65: {  	_ =	shalt  }
0x66: {  	_ =	shalt  }
0x67: {  	_ =	shalt  }
0x68: {  	_ =	shalt  }
0x69: {  	_ =	shalt  }
0x6a: {  	_ =	shalt  }
0x6b: {  	_ =	shalt  }
0x6c: {  	_ =	shalt  }
0x6d: {  	_ =	shalt  }
0x6e: {  	_ =	shalt  }
0x6f: {  	_ =	shalt  }
0x70: {  	_ =	shalt  }
0x71: {  	_ =	shalt  }
0x72: {  	_ =	shalt  }
0x73: {  	_ =	shalt  }
0x74: {  	_ =	shalt  }
0x75: {  	_ =	shalt  }
0x76: {  	_ =	shalt  }
0x77: {  	_ =	shalt  }
0x78: {  	_ =	shalt  }
0x79: {  	_ =	shalt  }
0x7a: {  	_ =	shalt  }
0x7b: {  	_ =	shalt  }
0x7c: {  	_ =	shalt  }
0x7d: {  	_ =	shalt  }
0x7e: {  	_ =	shalt  }
0x7f: {  	_ =	shalt  }
0x80: {  	_ =	shalt  }
0x81: {  	_ =	shalt  }
0x82: {  	_ =	shalt  }
0x83: {  	_ =	shalt  }
0x84: {  	_ =	shalt  }
0x85: {  	_ =	shalt  }
0x86: {  	_ =	shalt  }
0x87: {  	_ =	shalt  }
.Lfunc_end0:
.L_simem_size_0:
called_computation_lowered:
.L_overlay_start_0:
0x88: {  	s2 =	sld [smem:$0x3FD9]  }
0x89: {  	s3 =	sld [smem:$0x3FFE];
	_ =	sdelay $0x1  }
0x8a: {  	s1 =	srdreg.scid  }
0x8b: {  	s0 =	sand.u32 $0x1, s1  }
0x8c: {  	s17 =	sshll.u32 s0, $0xA;
	s2 =	sadd.s32 s3, s2  }
0x8d: {  	s2 =	sadd.s32 s2, s17  }
0x8e: {  	[smem:$0x3FC4] =	sst s2  }
0x8f: {  	_ = 	snop  }
0x90: {  	s2 =	sld [smem:$0x3FD0];
	(tm) =	ssettm $0x1  }
0x91: {  	s18 =	sld [smem:$0x3FFB];
	_ =	sdelay $0x3  }
0x92: {  	_ =	strace s18  }
0x93: {  	s3 =	sld [smem:$0x3FFC];
	_ =	sdelay $0x3  }
0x94: {  	_ =	strace s3  }
0x95: {  	s3 =	sld [smem:$0x3FFD];
	_ =	sdelay $0x3  }
0x96: {  	_ =	strace s3  }
0x97: {  	_ =	strace $0x8FFFFFFF  }
0x98: {  	s19 =	sld [smem:$0x3FDB];
	_ =	sdelay $0x1  }
0x99: {  	s4 =	simm.s32 $_scs_section_size  }
0x9a: {  	s5 =	simm.s32 $_size__tile_overlayer_lowered;
	s6 =	simm.s32 $_tile_overlayer_lowered  }
0x9b: {  	s22 =	simm.s32 $0x1BFF;
	s21 =	sshll.u32 s6, $0x1;
	s3 =	sadd.s32 s4, s19  }
0x9c: {  	s7 =	simm.s32 $0x0;
	s20 =	sshll.u32 s5, $0x1;
	s5 =	sadd.s32 s21, s3  }
0x9d: {  	[timem:s7], [sflag:s22] =	dma.local [hbm:s5], s20  }
0x9e: {  	_ =	swait.ge [sflag:s22], s20  }
0x9f: {  	s4 =	ssub.s32 $0x0, s20;
	[sflag:s22] =	ssyncset.done $0x0  }
0xa0: {  	[sflag:s22] =	ssyncadd.s32 s4;
	_ =	sdelay $0x1  }
0xa1: {  	s23 =	simm.s32 $0x1B8B  }
0xa2: {  	_ =	swait.ge [sflag:s23], $0x1  }
0xa3: {  	[sflag:s23] =	ssyncset.done $0x0  }
0xa4: {  	s25 =	simm.s32 $0x1B8E;
	s24 =	sld [smem:$0x3FFE];
	[sflag:s23] =	ssyncadd.s32 $0xFFFFFFFF  }
0xa5: {  	s26 =	simm.s32 $execute0_lowered;
	[smem:$0x3FD2] =	sst s25  }
0xa6: {  	s5 =	sshll.u32 s26, $0x1;
	_ =	strace $0x80000046;
	[dreg:$0x1] =	wrdreg $0xFFFFFFFF  }
0xa7: {  	s28 =	simm.s32 $_size_execute0_lowered;
	s3 =	sadd.s32 s3, s5;
	[dreg:$0x0] =	wrdreg $0x0  }
0xa8: {  	s5 =	sshll.u32 s28, $0x1;
	[dreg:$0x2] =	wrdreg s3  }
0xa9: {  	[dreg:$0x3] =	wrdreg s5  }
0xaa: {  	[dreg:$0x4] =	wrdreg $0xC0  }
0xab: {  	_ =	task [dreg:s7], $0x5FFFF  }
0xac: {  	[dreg:$0x1] =	wrdreg $0xFFFFFFFF  }
0xad: {  	[dreg:$0x0] =	wrdreg $0x60  }
0xae: {  	[dreg:$0x2] =	wrdreg s24  }
0xaf: {  	[dreg:$0x3] =	wrdreg s2  }
0xb0: {  	[dreg:$0x4] =	wrdreg $0x9  }
0xb1: {  	_ =	task.clear_ibuf [dreg:s7], $0x5FFFF;
	_ =	strace $0x90000046  }
0xb2: {  	s29 =	simm.s32 $0x9;
	_ =	strace $0x80000048  }
0xb3: {  	_ =	swait.ge [sflag:s29], $0x1  }
0xb4: {  	[sflag:s29] =	ssyncadd.s32 $0xFFFFFFFF  }
0xb5: {  	_ =	strace $0x90000048  }
0xb6: {  	_ =	sfence  }
0xb7: {  	s30 =	sld [smem:$0x0];
	_ =	sdelay $0x2  }
0xb8: {  	s31 =	sshll.u32 s1, $0xD;
	s1 =	sshrl.u32 s1, $0x2  }
0xb9: {  	s3 =	sand.u32 $0x4000, s31;
	s1 =	sadd.s32 s1, s30  }
0xba: {  	s0 =	sor.u32 s3, s0;
	s1 =	sshll.u32 s1, $0x11  }
0xbb: {  	s0 =	sor.u32 s1, s0  }
0xbc: {  	s0 =	sadd.s32 $0x8F2B, s0  }
0xbd: {  	[sflag:s0] =	ssyncadd.remote.s32 $0x1  }
0xbe: {  	_ =	sfence.sel $0xFFFF  }
0xbf: {  	[dreg:$0x0] =	wrdreg $0xFFFFFFFF;
	(pc) =	sbr.abs _section_cstart, $3  }
0xc0: {  	[dreg:$0x1] =	wrdreg $0xFFFFFFFF  }
0xc1: {  	_ =	task.clear_ibuf [dreg:s7], $0x2FFFF;
	_ =	strace $0x9FFFFFFF  }
0xc2: {  	(tm) =	ssettm $0x7FFFFFFF  }
0xc3: {  	_ =	shalt  }
tec
execute0_lowered:
.L_overlay_start_1:
0x0: {  	(tag) =	ssettag $0x1  }
0x1: {  	s0 =	rddreg [dreg:$0x0]  }
0x2: {  	s1 =	rddreg [dreg:$0x1];
	s2 =	simm.s32 $0x0;
	s3 =	srdreg.scid  }
0x3: {  	s8 =	stileid.u32;
	s17 =	simm.s32 $0x200;
	s18 =	simm.s32 $0x1  }
0x4: {  	s19 =	simm.s32 $0x80;
	s20 =	simm.s32 $0x400;
	s14 =	simm.s32 $0x2  }
0x5: {  	s16 =	simm.s32 $0x8400;
	s13 =	simm.s32 $0xB400;
	s15 =	simm.s32 $0xC400  }
0x6: {  	s21 =	simm.s32 $0xD400;
	s22 =	simm.s32 $0xE400;
	s23 =	simm.s32 $0xF400  }
0x7: {  	s24 =	simm.s32 $0x3;
	s26 =	simm.s32 $0x0;
	[smem:$0x7FF] =	sst s2  }
0x8: {  	s4 =	sadd.s32 $0xF42C00, s0;
	s3 =	sand.u32 $0x1, s3;
	s5 =	sadd.s32 $0x800, s0  }
0x9: {  	s7 =	sadd.s32 $0x19800, s0;
	s8 =	sshll.u32 s8, $0x1;
	s0 =	sadd.s32 $0x19A00, s0  }
0xa: {  	s10 =	sadd.s32 $0x4000, s1;
	s11 =	sadd.s32 $0x8000, s1;
	s12 =	sadd.s32 $0xC000, s1  }
0xb: {  	_ =	strace $0x80000047;
	s6 =	ssub.s32 $0x2, s3;
	[dreg:$0x3] =	wrdreg s7  }
0xc: {  	[dreg:$0x4] =	wrdreg s0;
	s3 =	sor.u32 s3, s8;
	s30 =	sshrl.u32 s6, $0x1  }
0xd: {  	s7 =	simm.s32 $0xA400;
	s8 =	sshll.u32 s3, $0x9;
	s31 =	ssub.s32 s6, s30  }
0xe: {  	v0 =	vlaneseq.u32;
	s9 =	sshll.u32 s3, $0xC;
	s3 =	simm.s32 $0x7400;
	s0 =	smax.u32 s31, $0x1  }
0xf: {  	v0 =	vmul.u32 $0x20, v0;
	s6 =	simm.s32 $0x9400;
	[dreg:$0x5] =	wrdreg s0;
	s0 =	simm.s32 $0x380  }
.LBB2_1:
0x10: {  	[dreg:$0x6] =	wrdreg s26  }
0x11: {  	s25 =	rddreg [dreg:$0x3];
	s29 =	simm.s32 $0x10400;
	s30 =	simm.s32 $0x4  }
0x12: {  	[tilespmem:s29], [sflag:$0x4] =	stream.linear.gather [hbm4b:s25+s2], $0x20, $0x38;
	[tilespmem:$0x10820] =	vst v63  }
0x13: {  	_ =	swait.ge [sflag:s30], $0x20  }
0x14: {  	[sflag:s30] =	ssyncset.done $0x0  }
0x15: {  	s28 =	simm.s32 $0x10420;
	s31 =	rddreg [dreg:$0x4];
	[sflag:s30] =	ssyncadd.s32 $0xFFFFFFE0  }
0x16: {  	[tilespmem:s28], [sflag:$0x4] =	stream.linear.gather [hbm4b:s31+s2], $0x400, $0x38;
	[tilespmem:$0x10820] =	vst v63  }
0x17: {  	_ =	swait.ge [sflag:s30], $0x400  }
0x18: {  	[sflag:s30] =	ssyncset.done $0x0  }
0x19: {  	[sflag:s30] =	ssyncadd.s32 $0xFFFFFC00  }
0x1a: {  	v1 =	vld [tilespmem:$0x10400]  }
0x1b: {  	s25 =	simm.s32 $0x0;
	v2 =	vld [tilespmem:$0x10410]  }
.LBB2_2:
0x1c: {  	s26 =	sshll.u32 s25, $0xF  }
0x1d: {  	s26 =	sor.u32 s8, s26  }
0x1e: {  	s26 =	sshrl.u32 s26, $0x3  }
0x1f: {  	s28 =	simm.s32 $0x0;
	s26 =	sadd.s32 s5, s26  }
0x20: {  	[tilespmem:s28], [sflag:$0x1] =	stream.linear.gather [hbm4b:s26+s28], $0x200, $0x38;
	[tilespmem:$0x10820] =	vst v63  }
0x21: {  	s26 =	sshllo.u32 s25, $0x1  }
0x22: {  	s29 =	sshll.u32 s26, $0xE  }
0x23: {  	s29 =	sor.u32 s8, s29  }
0x24: {  	s29 =	sshrl.u32 s29, $0x3  }
0x25: {  	s29 =	sadd.s32 s5, s29  }
0x26: {  	[tilespmem:s17], [sflag:$0x1] =	stream.linear.gather [hbm4b:s29+s28], $0x200, $0x38;
	[tilespmem:$0x10820] =	vst v63  }
0x27: {  	_ =	swait.ge [sflag:s18], $0x200  }
0x28: {  	[sflag:s18] =	ssyncset.done $0x0  }
0x29: {  	[sflag:s18] =	ssyncadd.s32 $0xFFFFFE00  }
0x2a: {  	[tilespmem:s20], [sflag:$0x2] =	stream.indirect.gather [hbm4b:s4+s19], $0x20, s28, s19, $0xb8;
	[tilespmem:$0x10820] =	vst v63  }
0x2b: {  	s29 =	simm.s32 $0x1400  }
0x2c: {  	[tilespmem:s29], [sflag:$0x2] =	stream.indirect.gather [hbm4b:s4+s19], $0x20, s19, s19, $0xb8;
	[tilespmem:$0x10820] =	vst v63  }
0x2d: {  	s30 =	simm.s32 $0x2400;
	s29 =	simm.s32 $0x100  }
0x2e: {  	[tilespmem:s30], [sflag:$0x2] =	stream.indirect.gather [hbm4b:s4+s19], $0x20, s29, s19, $0xb8;
	[tilespmem:$0x10820] =	vst v63  }
0x2f: {  	s31 =	simm.s32 $0x3400;
	s29 =	simm.s32 $0x180  }
0x30: {  	[tilespmem:s31], [sflag:$0x2] =	stream.indirect.gather [hbm4b:s4+s19], $0x20, s29, s19, $0xb8;
	[tilespmem:$0x10820] =	vst v63  }
0x31: {  	_ =	swait.ge [sflag:s18], $0x200  }
0x32: {  	[sflag:s18] =	ssyncset.done $0x0  }
0x33: {  	s29 =	simm.s32 $0x4400;
	[sflag:s18] =	ssyncadd.s32 $0xFFFFFE00  }
0x34: {  	[tilespmem:s29], [sflag:$0x2] =	stream.indirect.gather [hbm4b:s4+s19], $0x20, s17, s19, $0xb8;
	[tilespmem:$0x10820] =	vst v63  }
0x35: {  	s31 =	simm.s32 $0x5400;
	s29 =	simm.s32 $0x280  }
0x36: {  	[tilespmem:s31], [sflag:$0x2] =	stream.indirect.gather [hbm4b:s4+s19], $0x20, s29, s19, $0xb8;
	[tilespmem:$0x10820] =	vst v63  }
0x37: {  	s29 =	simm.s32 $0x300;
	s31 =	simm.s32 $0x6400  }
0x38: {  	[tilespmem:s31], [sflag:$0x2] =	stream.indirect.gather [hbm4b:s4+s19], $0x20, s29, s19, $0xb8;
	[tilespmem:$0x10820] =	vst v63  }
0x39: {  	_ = 	snop  }
0x3a: {  	[tilespmem:s3], [sflag:$0x2] =	stream.indirect.gather [hbm4b:s4+s19], $0x20, s0, s19, $0xb8;
	[tilespmem:$0x10820] =	vst v63  }
0x3b: {  	_ =	swait.ge [sflag:s14], $0x1000  }
0x3c: {  	[sflag:s14] =	ssyncset.done $0x0  }
0x3d: {  	[sflag:s14] =	ssyncadd.s32 $0xFFFFF000  }
0x3e: {  	_ =	swait.ge [sflag:s14], $0x1000  }
0x3f: {  	[sflag:s14] =	ssyncset.done $0x0  }
0x40: {  	[sflag:s14] =	ssyncadd.s32 $0xFFFFF000  }
0x41: {  	_ =	swait.ge [sflag:s14], $0x1000  }
0x42: {  	[sflag:s14] =	ssyncset.done $0x0  }
0x43: {  	[sflag:s14] =	ssyncadd.s32 $0xFFFFF000  }
0x44: {  	_ =	swait.ge [sflag:s14], $0x1000  }
0x45: {  	[sflag:s14] =	ssyncset.done $0x0  }
0x46: {  	s29 =	simm.s32 $0x0;
	[sflag:s14] =	ssyncadd.s32 $0xFFFFF000  }
.LBB2_3:
0x47: {  	v4 =	vld [tilespmem:$0x10420];
	_ =	sdelay $0x2  }
0x48: {  	v3 =	vmov s28  }
0x49: {  	v3 =	vshll.u32 v3, $0x5  }
0x4a: {  	v3 =	vor.u32 v0, v3;
	v5 =	vand.u32 $0xFFFFFFF8, v4  }
0x4b: {  	v4 =	vand.u32 $0x7, v4;
	v5 =	vadd.s32 v3, v5  }
0x4c: {  	v4 =	vor.u32 v4, v5;
	_ =	sdelay $0x3  }
0x4d: {  	v57 =	vld [tilespmem:$0x10620]  }
0x4e: {  	v4 =	vld.idx.msk [tilespmem:v4+s20+$0x0], $0xffff;
	_ =	sdelay $0x1  }
0x4f: {  	s30 =	sand.u32 $0xC00, s29;
	s31 =	sand.u32 $0x70, s28  }
0x50: {  	s30 =	sor.u32 s31, s30  }
0x51: {  	v5 =	vadd.s32 s30, v57  }
0x52: {  	v4 =	vmul.f32 v4, v1;
	_ =	sdelay $0x1  }
0x53: {  	v4 =	vadd.f32 v4, v2;
	_ =	sdelay $0x1  }
0x54: {  	[tilespmem:v5+s16+$0x0] =	vst.idx.msk $0xffff, v4  }
0x55: {  	v4 =	vld [tilespmem:$0x10430];
	_ =	sdelay $0x4  }
0x56: {  	v58 =	vand.u32 $0xFFFFFFF8, v4  }
0x57: {  	v4 =	vand.u32 $0x7, v4;
	v5 =	vadd.s32 v3, v58  }
0x58: {  	v4 =	vor.u32 v4, v5;
	_ =	sdelay $0x3  }
0x59: {  	v59 =	vld [tilespmem:$0x10630]  }
0x5a: {  	v4 =	vld.idx.msk [tilespmem:v4+s20+$0x0], $0xffff;
	_ =	sdelay $0x3  }
0x5b: {  	v5 =	vadd.s32 s30, v59  }
0x5c: {  	v4 =	vmul.f32 v4, v1;
	_ =	sdelay $0x1  }
0x5d: {  	v4 =	vadd.f32 v4, v2;
	_ =	sdelay $0x1  }
0x5e: {  	[tilespmem:v5+s16+$0x0] =	vst.idx.msk $0xffff, v4  }
0x5f: {  	v4 =	vld [tilespmem:$0x10440];
	_ =	sdelay $0x4  }
0x60: {  	v60 =	vand.u32 $0xFFFFFFF8, v4  }
0x61: {  	v4 =	vand.u32 $0x7, v4;
	v5 =	vadd.s32 v3, v60  }
0x62: {  	v4 =	vor.u32 v4, v5;
	_ =	sdelay $0x3  }
0x63: {  	v61 =	vld [tilespmem:$0x10640]  }
0x64: {  	v4 =	vld.idx.msk [tilespmem:v4+s20+$0x0], $0xffff;
	_ =	sdelay $0x3  }
0x65: {  	v5 =	vadd.s32 s30, v61  }
0x66: {  	v4 =	vmul.f32 v4, v1;
	_ =	sdelay $0x1  }
0x67: {  	v4 =	vadd.f32 v4, v2;
	_ =	sdelay $0x1  }
0x68: {  	[tilespmem:v5+s16+$0x0] =	vst.idx.msk $0xffff, v4  }
0x69: {  	v4 =	vld [tilespmem:$0x10450];
	_ =	sdelay $0x4  }
0x6a: {  	v62 =	vand.u32 $0xFFFFFFF8, v4  }
0x6b: {  	v4 =	vand.u32 $0x7, v4;
	v5 =	vadd.s32 v3, v62  }
0x6c: {  	v4 =	vor.u32 v4, v5;
	_ =	sdelay $0x3  }
0x6d: {  	v63 =	vld [tilespmem:$0x10650]  }
0x6e: {  	v4 =	vld.idx.msk [tilespmem:v4+s20+$0x0], $0xffff;
	_ =	sdelay $0x3  }
0x6f: {  	v5 =	vadd.s32 s30, v63  }
0x70: {  	v4 =	vmul.f32 v4, v1;
	_ =	sdelay $0x1  }
0x71: {  	v4 =	vadd.f32 v4, v2;
	_ =	sdelay $0x1  }
0x72: {  	[tilespmem:v5+s16+$0x0] =	vst.idx.msk $0xffff, v4  }
0x73: {  	v4 =	vld [tilespmem:$0x10460];
	_ =	sdelay $0x4  }
0x74: {  	v8 =	vand.u32 $0xFFFFFFF8, v4  }
0x75: {  	v4 =	vand.u32 $0x7, v4;
	v5 =	vadd.s32 v3, v8  }
0x76: {  	v4 =	vor.u32 v4, v5;
	_ =	sdelay $0x3  }
0x77: {  	v9 =	vld [tilespmem:$0x10660]  }
0x78: {  	v4 =	vld.idx.msk [tilespmem:v4+s20+$0x0], $0xffff;
	_ =	sdelay $0x3  }
0x79: {  	v5 =	vadd.s32 s30, v9  }
0x7a: {  	v4 =	vmul.f32 v4, v1;
	_ =	sdelay $0x1  }
0x7b: {  	v4 =	vadd.f32 v4, v2;
	_ =	sdelay $0x1  }
0x7c: {  	[tilespmem:v5+s16+$0x0] =	vst.idx.msk $0xffff, v4  }
0x7d: {  	v4 =	vld [tilespmem:$0x10470];
	_ =	sdelay $0x4  }
0x7e: {  	v10 =	vand.u32 $0xFFFFFFF8, v4  }
0x7f: {  	v4 =	vand.u32 $0x7, v4;
	v5 =	vadd.s32 v3, v10  }
0x80: {  	v4 =	vor.u32 v4, v5;
	_ =	sdelay $0x3  }
0x81: {  	v11 =	vld [tilespmem:$0x10670]  }
0x82: {  	v4 =	vld.idx.msk [tilespmem:v4+s20+$0x0], $0xffff;
	_ =	sdelay $0x3  }
0x83: {  	v5 =	vadd.s32 s30, v11  }
0x84: {  	v4 =	vmul.f32 v4, v1;
	_ =	sdelay $0x1  }
0x85: {  	v4 =	vadd.f32 v4, v2;
	_ =	sdelay $0x1  }
0x86: {  	[tilespmem:v5+s16+$0x0] =	vst.idx.msk $0xffff, v4  }
0x87: {  	v4 =	vld [tilespmem:$0x10480];
	_ =	sdelay $0x4  }
0x88: {  	v12 =	vand.u32 $0xFFFFFFF8, v4  }
0x89: {  	v4 =	vand.u32 $0x7, v4;
	v5 =	vadd.s32 v3, v12  }
0x8a: {  	v4 =	vor.u32 v4, v5;
	_ =	sdelay $0x3  }
0x8b: {  	v13 =	vld [tilespmem:$0x10680]  }
0x8c: {  	v4 =	vld.idx.msk [tilespmem:v4+s20+$0x0], $0xffff;
	_ =	sdelay $0x3  }
0x8d: {  	v5 =	vadd.s32 s30, v13  }
0x8e: {  	v4 =	vmul.f32 v4, v1;
	_ =	sdelay $0x1  }
0x8f: {  	v4 =	vadd.f32 v4, v2;
	_ =	sdelay $0x1  }
0x90: {  	[tilespmem:v5+s16+$0x0] =	vst.idx.msk $0xffff, v4  }
0x91: {  	v4 =	vld [tilespmem:$0x10490];
	_ =	sdelay $0x4  }
0x92: {  	v14 =	vand.u32 $0xFFFFFFF8, v4  }
0x93: {  	v4 =	vand.u32 $0x7, v4;
	v5 =	vadd.s32 v3, v14  }
0x94: {  	v4 =	vor.u32 v4, v5;
	_ =	sdelay $0x3  }
0x95: {  	v15 =	vld [tilespmem:$0x10690]  }
0x96: {  	v4 =	vld.idx.msk [tilespmem:v4+s20+$0x0], $0xffff;
	_ =	sdelay $0x3  }
0x97: {  	v5 =	vadd.s32 s30, v15  }
0x98: {  	v4 =	vmul.f32 v4, v1;
	_ =	sdelay $0x1  }
0x99: {  	v4 =	vadd.f32 v4, v2;
	_ =	sdelay $0x1  }
0x9a: {  	[tilespmem:v5+s16+$0x0] =	vst.idx.msk $0xffff, v4  }
0x9b: {  	v4 =	vld [tilespmem:$0x104A0];
	_ =	sdelay $0x4  }
0x9c: {  	v16 =	vand.u32 $0xFFFFFFF8, v4  }
0x9d: {  	v4 =	vand.u32 $0x7, v4;
	v5 =	vadd.s32 v3, v16  }
0x9e: {  	v4 =	vor.u32 v4, v5;
	_ =	sdelay $0x3  }
0x9f: {  	v17 =	vld [tilespmem:$0x106A0]  }
0xa0: {  	v4 =	vld.idx.msk [tilespmem:v4+s20+$0x0], $0xffff;
	_ =	sdelay $0x3  }
0xa1: {  	v5 =	vadd.s32 s30, v17  }
0xa2: {  	v4 =	vmul.f32 v4, v1;
	_ =	sdelay $0x1  }
0xa3: {  	v4 =	vadd.f32 v4, v2;
	_ =	sdelay $0x1  }
0xa4: {  	[tilespmem:v5+s16+$0x0] =	vst.idx.msk $0xffff, v4  }
0xa5: {  	v4 =	vld [tilespmem:$0x104B0];
	_ =	sdelay $0x4  }
0xa6: {  	v18 =	vand.u32 $0xFFFFFFF8, v4  }
0xa7: {  	v4 =	vand.u32 $0x7, v4;
	v5 =	vadd.s32 v3, v18  }
0xa8: {  	v4 =	vor.u32 v4, v5;
	_ =	sdelay $0x3  }
0xa9: {  	v19 =	vld [tilespmem:$0x106B0]  }
0xaa: {  	v4 =	vld.idx.msk [tilespmem:v4+s20+$0x0], $0xffff;
	_ =	sdelay $0x3  }
0xab: {  	v5 =	vadd.s32 s30, v19  }
0xac: {  	v4 =	vmul.f32 v4, v1;
	_ =	sdelay $0x1  }
0xad: {  	v4 =	vadd.f32 v4, v2;
	_ =	sdelay $0x1  }
0xae: {  	[tilespmem:v5+s16+$0x0] =	vst.idx.msk $0xffff, v4  }
0xaf: {  	v4 =	vld [tilespmem:$0x104C0];
	_ =	sdelay $0x4  }
0xb0: {  	v20 =	vand.u32 $0xFFFFFFF8, v4  }
0xb1: {  	v4 =	vand.u32 $0x7, v4;
	v5 =	vadd.s32 v3, v20  }
0xb2: {  	v4 =	vor.u32 v4, v5;
	_ =	sdelay $0x3  }
0xb3: {  	v21 =	vld [tilespmem:$0x106C0]  }
0xb4: {  	v4 =	vld.idx.msk [tilespmem:v4+s20+$0x0], $0xffff;
	_ =	sdelay $0x3  }
0xb5: {  	v5 =	vadd.s32 s30, v21  }
0xb6: {  	v4 =	vmul.f32 v4, v1;
	_ =	sdelay $0x1  }
0xb7: {  	v4 =	vadd.f32 v4, v2;
	_ =	sdelay $0x1  }
0xb8: {  	[tilespmem:v5+s16+$0x0] =	vst.idx.msk $0xffff, v4  }
0xb9: {  	v4 =	vld [tilespmem:$0x104D0];
	_ =	sdelay $0x4  }
0xba: {  	v22 =	vand.u32 $0xFFFFFFF8, v4  }
0xbb: {  	v4 =	vand.u32 $0x7, v4;
	v5 =	vadd.s32 v3, v22  }
0xbc: {  	v4 =	vor.u32 v4, v5;
	_ =	sdelay $0x3  }
0xbd: {  	v23 =	vld [tilespmem:$0x106D0]  }
0xbe: {  	v4 =	vld.idx.msk [tilespmem:v4+s20+$0x0], $0xffff;
	_ =	sdelay $0x3  }
0xbf: {  	v5 =	vadd.s32 s30, v23  }
0xc0: {  	v4 =	vmul.f32 v4, v1;
	_ =	sdelay $0x1  }
0xc1: {  	v4 =	vadd.f32 v4, v2;
	_ =	sdelay $0x1  }
0xc2: {  	[tilespmem:v5+s16+$0x0] =	vst.idx.msk $0xffff, v4  }
0xc3: {  	v4 =	vld [tilespmem:$0x104E0];
	_ =	sdelay $0x4  }
0xc4: {  	v24 =	vand.u32 $0xFFFFFFF8, v4  }
0xc5: {  	v4 =	vand.u32 $0x7, v4;
	v5 =	vadd.s32 v3, v24  }
0xc6: {  	v4 =	vor.u32 v4, v5;
	_ =	sdelay $0x3  }
0xc7: {  	v25 =	vld [tilespmem:$0x106E0]  }
0xc8: {  	v4 =	vld.idx.msk [tilespmem:v4+s20+$0x0], $0xffff;
	_ =	sdelay $0x3  }
0xc9: {  	v5 =	vadd.s32 s30, v25  }
0xca: {  	v4 =	vmul.f32 v4, v1;
	_ =	sdelay $0x1  }
0xcb: {  	v4 =	vadd.f32 v4, v2;
	_ =	sdelay $0x1  }
0xcc: {  	[tilespmem:v5+s16+$0x0] =	vst.idx.msk $0xffff, v4  }
0xcd: {  	v4 =	vld [tilespmem:$0x104F0];
	_ =	sdelay $0x4  }
0xce: {  	v26 =	vand.u32 $0xFFFFFFF8, v4  }
0xcf: {  	v4 =	vand.u32 $0x7, v4;
	v5 =	vadd.s32 v3, v26  }
0xd0: {  	v4 =	vor.u32 v4, v5;
	_ =	sdelay $0x3  }
0xd1: {  	v27 =	vld [tilespmem:$0x106F0]  }
0xd2: {  	v4 =	vld.idx.msk [tilespmem:v4+s20+$0x0], $0xffff;
	_ =	sdelay $0x3  }
0xd3: {  	v5 =	vadd.s32 s30, v27  }
0xd4: {  	v4 =	vmul.f32 v4, v1;
	_ =	sdelay $0x1  }
0xd5: {  	v4 =	vadd.f32 v4, v2;
	_ =	sdelay $0x1  }
0xd6: {  	[tilespmem:v5+s16+$0x0] =	vst.idx.msk $0xffff, v4  }
0xd7: {  	v4 =	vld [tilespmem:$0x10500];
	_ =	sdelay $0x4  }
0xd8: {  	v28 =	vand.u32 $0xFFFFFFF8, v4  }
0xd9: {  	v4 =	vand.u32 $0x7, v4;
	v5 =	vadd.s32 v3, v28  }
0xda: {  	v4 =	vor.u32 v4, v5;
	_ =	sdelay $0x3  }
0xdb: {  	v29 =	vld [tilespmem:$0x10700]  }
0xdc: {  	v4 =	vld.idx.msk [tilespmem:v4+s20+$0x0], $0xffff;
	_ =	sdelay $0x3  }
0xdd: {  	v5 =	vadd.s32 s30, v29  }
0xde: {  	v4 =	vmul.f32 v4, v1;
	_ =	sdelay $0x1  }
0xdf: {  	v4 =	vadd.f32 v4, v2;
	_ =	sdelay $0x1  }
0xe0: {  	[tilespmem:v5+s16+$0x0] =	vst.idx.msk $0xffff, v4  }
0xe1: {  	v4 =	vld [tilespmem:$0x10510];
	_ =	sdelay $0x4  }
0xe2: {  	v30 =	vand.u32 $0xFFFFFFF8, v4  }
0xe3: {  	v4 =	vand.u32 $0x7, v4;
	v5 =	vadd.s32 v3, v30  }
0xe4: {  	v4 =	vor.u32 v4, v5;
	_ =	sdelay $0x3  }
0xe5: {  	v31 =	vld [tilespmem:$0x10710]  }
0xe6: {  	v4 =	vld.idx.msk [tilespmem:v4+s20+$0x0], $0xffff;
	_ =	sdelay $0x3  }
0xe7: {  	v5 =	vadd.s32 s30, v31  }
0xe8: {  	v4 =	vmul.f32 v4, v1;
	_ =	sdelay $0x1  }
0xe9: {  	v4 =	vadd.f32 v4, v2;
	_ =	sdelay $0x1  }
0xea: {  	[tilespmem:v5+s16+$0x0] =	vst.idx.msk $0xffff, v4  }
0xeb: {  	v4 =	vld [tilespmem:$0x10520];
	_ =	sdelay $0x4  }
0xec: {  	v32 =	vand.u32 $0xFFFFFFF8, v4  }
0xed: {  	v4 =	vand.u32 $0x7, v4;
	v5 =	vadd.s32 v3, v32  }
0xee: {  	v4 =	vor.u32 v4, v5;
	_ =	sdelay $0x3  }
0xef: {  	v33 =	vld [tilespmem:$0x10720]  }
0xf0: {  	v4 =	vld.idx.msk [tilespmem:v4+s20+$0x0], $0xffff;
	_ =	sdelay $0x3  }
0xf1: {  	v5 =	vadd.s32 s30, v33  }
0xf2: {  	v4 =	vmul.f32 v4, v1;
	_ =	sdelay $0x1  }
0xf3: {  	v4 =	vadd.f32 v4, v2;
	_ =	sdelay $0x1  }
0xf4: {  	[tilespmem:v5+s16+$0x0] =	vst.idx.msk $0xffff, v4  }
0xf5: {  	v4 =	vld [tilespmem:$0x10530];
	_ =	sdelay $0x4  }
0xf6: {  	v34 =	vand.u32 $0xFFFFFFF8, v4  }
0xf7: {  	v4 =	vand.u32 $0x7, v4;
	v5 =	vadd.s32 v3, v34  }
0xf8: {  	v4 =	vor.u32 v4, v5;
	_ =	sdelay $0x3  }
0xf9: {  	v35 =	vld [tilespmem:$0x10730]  }
0xfa: {  	v4 =	vld.idx.msk [tilespmem:v4+s20+$0x0], $0xffff;
	_ =	sdelay $0x3  }
0xfb: {  	v5 =	vadd.s32 s30, v35  }
0xfc: {  	v4 =	vmul.f32 v4, v1;
	_ =	sdelay $0x1  }
0xfd: {  	v4 =	vadd.f32 v4, v2;
	_ =	sdelay $0x1  }
0xfe: {  	[tilespmem:v5+s16+$0x0] =	vst.idx.msk $0xffff, v4  }
0xff: {  	v4 =	vld [tilespmem:$0x10540];
	_ =	sdelay $0x4  }
0x100: {  	v36 =	vand.u32 $0xFFFFFFF8, v4  }
0x101: {  	v4 =	vand.u32 $0x7, v4;
	v5 =	vadd.s32 v3, v36  }
0x102: {  	v4 =	vor.u32 v4, v5;
	_ =	sdelay $0x3  }
0x103: {  	v37 =	vld [tilespmem:$0x10740]  }
0x104: {  	v4 =	vld.idx.msk [tilespmem:v4+s20+$0x0], $0xffff;
	_ =	sdelay $0x3  }
0x105: {  	v5 =	vadd.s32 s30, v37  }
0x106: {  	v4 =	vmul.f32 v4, v1;
	_ =	sdelay $0x1  }
0x107: {  	v4 =	vadd.f32 v4, v2;
	_ =	sdelay $0x1  }
0x108: {  	[tilespmem:v5+s16+$0x0] =	vst.idx.msk $0xffff, v4  }
0x109: {  	v4 =	vld [tilespmem:$0x10550];
	_ =	sdelay $0x4  }
0x10a: {  	v38 =	vand.u32 $0xFFFFFFF8, v4  }
0x10b: {  	v4 =	vand.u32 $0x7, v4;
	v5 =	vadd.s32 v3, v38  }
0x10c: {  	v4 =	vor.u32 v4, v5;
	_ =	sdelay $0x3  }
0x10d: {  	v39 =	vld [tilespmem:$0x10750]  }
0x10e: {  	v4 =	vld.idx.msk [tilespmem:v4+s20+$0x0], $0xffff;
	_ =	sdelay $0x3  }
0x10f: {  	v5 =	vadd.s32 s30, v39  }
0x110: {  	v4 =	vmul.f32 v4, v1;
	_ =	sdelay $0x1  }
0x111: {  	v4 =	vadd.f32 v4, v2;
	_ =	sdelay $0x1  }
0x112: {  	[tilespmem:v5+s16+$0x0] =	vst.idx.msk $0xffff, v4  }
0x113: {  	v4 =	vld [tilespmem:$0x10560];
	_ =	sdelay $0x4  }
0x114: {  	v40 =	vand.u32 $0xFFFFFFF8, v4  }
0x115: {  	v4 =	vand.u32 $0x7, v4;
	v5 =	vadd.s32 v3, v40  }
0x116: {  	v4 =	vor.u32 v4, v5;
	_ =	sdelay $0x3  }
0x117: {  	v41 =	vld [tilespmem:$0x10760]  }
0x118: {  	v4 =	vld.idx.msk [tilespmem:v4+s20+$0x0], $0xffff;
	_ =	sdelay $0x3  }
0x119: {  	v5 =	vadd.s32 s30, v41  }
0x11a: {  	v4 =	vmul.f32 v4, v1;
	_ =	sdelay $0x1  }
0x11b: {  	v4 =	vadd.f32 v4, v2;
	_ =	sdelay $0x1  }
0x11c: {  	[tilespmem:v5+s16+$0x0] =	vst.idx.msk $0xffff, v4  }
0x11d: {  	v4 =	vld [tilespmem:$0x10570];
	_ =	sdelay $0x4  }
0x11e: {  	v42 =	vand.u32 $0xFFFFFFF8, v4  }
0x11f: {  	v4 =	vand.u32 $0x7, v4;
	v5 =	vadd.s32 v3, v42  }
0x120: {  	v4 =	vor.u32 v4, v5;
	_ =	sdelay $0x3  }
0x121: {  	v43 =	vld [tilespmem:$0x10770]  }
0x122: {  	v4 =	vld.idx.msk [tilespmem:v4+s20+$0x0], $0xffff;
	_ =	sdelay $0x3  }
0x123: {  	v5 =	vadd.s32 s30, v43  }
0x124: {  	v4 =	vmul.f32 v4, v1;
	_ =	sdelay $0x1  }
0x125: {  	v4 =	vadd.f32 v4, v2;
	_ =	sdelay $0x1  }
0x126: {  	[tilespmem:v5+s16+$0x0] =	vst.idx.msk $0xffff, v4  }
0x127: {  	v4 =	vld [tilespmem:$0x10580];
	_ =	sdelay $0x4  }
0x128: {  	v44 =	vand.u32 $0xFFFFFFF8, v4  }
0x129: {  	v4 =	vand.u32 $0x7, v4;
	v5 =	vadd.s32 v3, v44  }
0x12a: {  	v4 =	vor.u32 v4, v5;
	_ =	sdelay $0x3  }
0x12b: {  	v45 =	vld [tilespmem:$0x10780]  }
0x12c: {  	v4 =	vld.idx.msk [tilespmem:v4+s20+$0x0], $0xffff;
	_ =	sdelay $0x3  }
0x12d: {  	v5 =	vadd.s32 s30, v45  }
0x12e: {  	v4 =	vmul.f32 v4, v1;
	_ =	sdelay $0x1  }
0x12f: {  	v4 =	vadd.f32 v4, v2;
	_ =	sdelay $0x1  }
0x130: {  	[tilespmem:v5+s16+$0x0] =	vst.idx.msk $0xffff, v4  }
0x131: {  	v4 =	vld [tilespmem:$0x10590];
	_ =	sdelay $0x4  }
0x132: {  	v46 =	vand.u32 $0xFFFFFFF8, v4  }
0x133: {  	v4 =	vand.u32 $0x7, v4;
	v5 =	vadd.s32 v3, v46  }
0x134: {  	v4 =	vor.u32 v4, v5;
	_ =	sdelay $0x3  }
0x135: {  	v47 =	vld [tilespmem:$0x10790]  }
0x136: {  	v4 =	vld.idx.msk [tilespmem:v4+s20+$0x0], $0xffff;
	_ =	sdelay $0x3  }
0x137: {  	v5 =	vadd.s32 s30, v47  }
0x138: {  	v4 =	vmul.f32 v4, v1;
	_ =	sdelay $0x1  }
0x139: {  	v4 =	vadd.f32 v4, v2;
	_ =	sdelay $0x1  }
0x13a: {  	[tilespmem:v5+s16+$0x0] =	vst.idx.msk $0xffff, v4  }
0x13b: {  	v4 =	vld [tilespmem:$0x105A0];
	_ =	sdelay $0x4  }
0x13c: {  	v48 =	vand.u32 $0xFFFFFFF8, v4  }
0x13d: {  	v4 =	vand.u32 $0x7, v4;
	v5 =	vadd.s32 v3, v48  }
0x13e: {  	v4 =	vor.u32 v4, v5;
	_ =	sdelay $0x3  }
0x13f: {  	v49 =	vld [tilespmem:$0x107A0]  }
0x140: {  	v4 =	vld.idx.msk [tilespmem:v4+s20+$0x0], $0xffff;
	_ =	sdelay $0x3  }
0x141: {  	v5 =	vadd.s32 s30, v49  }
0x142: {  	v4 =	vmul.f32 v4, v1;
	_ =	sdelay $0x1  }
0x143: {  	v4 =	vadd.f32 v4, v2;
	_ =	sdelay $0x1  }
0x144: {  	[tilespmem:v5+s16+$0x0] =	vst.idx.msk $0xffff, v4  }
0x145: {  	v4 =	vld [tilespmem:$0x105B0];
	_ =	sdelay $0x4  }
0x146: {  	v50 =	vand.u32 $0xFFFFFFF8, v4  }
0x147: {  	v4 =	vand.u32 $0x7, v4;
	v5 =	vadd.s32 v3, v50  }
0x148: {  	v4 =	vor.u32 v4, v5;
	_ =	sdelay $0x3  }
0x149: {  	v51 =	vld [tilespmem:$0x107B0]  }
0x14a: {  	v4 =	vld.idx.msk [tilespmem:v4+s20+$0x0], $0xffff;
	_ =	sdelay $0x3  }
0x14b: {  	v5 =	vadd.s32 s30, v51  }
0x14c: {  	v4 =	vmul.f32 v4, v1;
	_ =	sdelay $0x1  }
0x14d: {  	v4 =	vadd.f32 v4, v2;
	_ =	sdelay $0x1  }
0x14e: {  	[tilespmem:v5+s16+$0x0] =	vst.idx.msk $0xffff, v4  }
0x14f: {  	v4 =	vld [tilespmem:$0x105C0];
	_ =	sdelay $0x4  }
0x150: {  	v52 =	vand.u32 $0xFFFFFFF8, v4  }
0x151: {  	v4 =	vand.u32 $0x7, v4;
	v5 =	vadd.s32 v3, v52  }
0x152: {  	v4 =	vor.u32 v4, v5;
	_ =	sdelay $0x3  }
0x153: {  	v53 =	vld [tilespmem:$0x107C0]  }
0x154: {  	v4 =	vld.idx.msk [tilespmem:v4+s20+$0x0], $0xffff;
	_ =	sdelay $0x3  }
0x155: {  	v5 =	vadd.s32 s30, v53  }
0x156: {  	v4 =	vmul.f32 v4, v1;
	_ =	sdelay $0x1  }
0x157: {  	v4 =	vadd.f32 v4, v2;
	_ =	sdelay $0x1  }
0x158: {  	[tilespmem:v5+s16+$0x0] =	vst.idx.msk $0xffff, v4  }
0x159: {  	v4 =	vld [tilespmem:$0x105D0];
	_ =	sdelay $0x4  }
0x15a: {  	v54 =	vand.u32 $0xFFFFFFF8, v4  }
0x15b: {  	v4 =	vand.u32 $0x7, v4;
	v5 =	vadd.s32 v3, v54  }
0x15c: {  	v4 =	vor.u32 v4, v5;
	_ =	sdelay $0x3  }
0x15d: {  	v55 =	vld [tilespmem:$0x107D0]  }
0x15e: {  	v4 =	vld.idx.msk [tilespmem:v4+s20+$0x0], $0xffff;
	_ =	sdelay $0x3  }
0x15f: {  	v5 =	vadd.s32 s30, v55  }
0x160: {  	v4 =	vmul.f32 v4, v1;
	_ =	sdelay $0x1  }
0x161: {  	v4 =	vadd.f32 v4, v2;
	_ =	sdelay $0x1  }
0x162: {  	[tilespmem:v5+s16+$0x0] =	vst.idx.msk $0xffff, v4  }
0x163: {  	v4 =	vld [tilespmem:$0x105E0];
	_ =	sdelay $0x4  }
0x164: {  	v56 =	vand.u32 $0xFFFFFFF8, v4  }
0x165: {  	v4 =	vand.u32 $0x7, v4;
	v5 =	vadd.s32 v3, v56  }
0x166: {  	v4 =	vor.u32 v4, v5;
	_ =	sdelay $0x3  }
0x167: {  	v57 =	vld [tilespmem:$0x107E0]  }
0x168: {  	v4 =	vld.idx.msk [tilespmem:v4+s20+$0x0], $0xffff;
	_ =	sdelay $0x3  }
0x169: {  	v5 =	vadd.s32 s30, v57  }
0x16a: {  	v4 =	vmul.f32 v4, v1;
	_ =	sdelay $0x1  }
0x16b: {  	v4 =	vadd.f32 v4, v2;
	_ =	sdelay $0x1  }
0x16c: {  	[tilespmem:v5+s16+$0x0] =	vst.idx.msk $0xffff, v4  }
0x16d: {  	v4 =	vld [tilespmem:$0x105F0];
	_ =	sdelay $0x4  }
0x16e: {  	v58 =	vand.u32 $0xFFFFFFF8, v4  }
0x16f: {  	v4 =	vand.u32 $0x7, v4;
	v5 =	vadd.s32 v3, v58  }
0x170: {  	v4 =	vor.u32 v4, v5;
	_ =	sdelay $0x3  }
0x171: {  	v59 =	vld [tilespmem:$0x107F0]  }
0x172: {  	v4 =	vld.idx.msk [tilespmem:v4+s20+$0x0], $0xffff;
	_ =	sdelay $0x3  }
0x173: {  	v5 =	vadd.s32 s30, v59  }
0x174: {  	v4 =	vmul.f32 v4, v1;
	_ =	sdelay $0x1  }
0x175: {  	v4 =	vadd.f32 v4, v2;
	_ =	sdelay $0x1  }
0x176: {  	[tilespmem:v5+s16+$0x0] =	vst.idx.msk $0xffff, v4  }
0x177: {  	v4 =	vld [tilespmem:$0x10600];
	_ =	sdelay $0x4  }
0x178: {  	v60 =	vand.u32 $0xFFFFFFF8, v4  }
0x179: {  	v4 =	vand.u32 $0x7, v4;
	v5 =	vadd.s32 v3, v60  }
0x17a: {  	v4 =	vor.u32 v4, v5;
	_ =	sdelay $0x3  }
0x17b: {  	v61 =	vld [tilespmem:$0x10800]  }
0x17c: {  	v4 =	vld.idx.msk [tilespmem:v4+s20+$0x0], $0xffff;
	_ =	sdelay $0x3  }
0x17d: {  	v5 =	vadd.s32 s30, v61  }
0x17e: {  	v4 =	vmul.f32 v4, v1;
	_ =	sdelay $0x1  }
0x17f: {  	v4 =	vadd.f32 v4, v2;
	_ =	sdelay $0x1  }
0x180: {  	[tilespmem:v5+s16+$0x0] =	vst.idx.msk $0xffff, v4  }
0x181: {  	v4 =	vld [tilespmem:$0x10610];
	_ =	sdelay $0x4  }
0x182: {  	v62 =	vand.u32 $0xFFFFFFF8, v4  }
0x183: {  	v4 =	vand.u32 $0x7, v4;
	v3 =	vadd.s32 v3, v62  }
0x184: {  	v3 =	vor.u32 v4, v3;
	_ =	sdelay $0x3  }
0x185: {  	v63 =	vld [tilespmem:$0x10810]  }
0x186: {  	v3 =	vld.idx.msk [tilespmem:v3+s20+$0x0], $0xffff;
	_ =	sdelay $0x3  }
0x187: {  	p0 =	sne.s32 s29, $0xF80;
	v4 =	vadd.s32 s30, v63  }
.Ltmp0:
0x188: {  	v3 =	vmul.f32 v3, v1;
	(pc) =	sbr.rel @p0 .LBB2_3-.Ltmp0, $3  }
0x189: {  	_ = 	snop  }
0x18a: {  	v3 =	vadd.f32 v3, v2;
	_ =	sdelay $0x1  }
0x18b: {  	s28 =	sadd.s32 $0x10, s28;
	s29 =	sadd.s32 $0x80, s29;
	[tilespmem:v4+s16+$0x0] =	vst.idx.msk $0xffff, v3  }
0x18c: {  	s28 =	sshll.u32 s25, $0x14  }
0x18d: {  	s28 =	sor.u32 s9, s28  }
0x18e: {  	s29 =	sshrl.u32 s28, $0x3  }
0x18f: {  	s28 =	simm.s32 $0x0;
	s30 =	sadd.s32 s1, s29  }
0x190: {  	[hbm4b:s30+s28] =	stream.linear.scatter [tilespmem:s16], [sflag:$0x3], $0x1000, $0x38;
	[tilespmem:$0x10820] =	vst v63  }
0x191: {  	s31 =	sadd.s32 s29, s10  }
0x192: {  	[hbm4b:s31+s28] =	stream.linear.scatter [tilespmem:s6], [sflag:$0x3], $0x1000, $0x38;
	[tilespmem:$0x10820] =	vst v63  }
0x193: {  	s31 =	sadd.s32 s29, s11  }
0x194: {  	[hbm4b:s31+s28] =	stream.linear.scatter [tilespmem:s7], [sflag:$0x3], $0x1000, $0x38;
	[tilespmem:$0x10820] =	vst v63  }
0x195: {  	s29 =	sadd.s32 s29, s12  }
0x196: {  	[hbm4b:s29+s28] =	stream.linear.scatter [tilespmem:s13], [sflag:$0x3], $0x1000, $0x38;
	[tilespmem:$0x10820] =	vst v63  }
0x197: {  	_ =	swait.ge [sflag:s14], $0x1000  }
0x198: {  	[sflag:s14] =	ssyncset.done $0x0  }
0x199: {  	[sflag:s14] =	ssyncadd.s32 $0xFFFFF000  }
0x19a: {  	_ =	swait.ge [sflag:s14], $0x1000  }
0x19b: {  	[sflag:s14] =	ssyncset.done $0x0  }
0x19c: {  	[sflag:s14] =	ssyncadd.s32 $0xFFFFF000  }
0x19d: {  	_ =	swait.ge [sflag:s14], $0x1000  }
0x19e: {  	[sflag:s14] =	ssyncset.done $0x0  }
0x19f: {  	[sflag:s14] =	ssyncadd.s32 $0xFFFFF000  }
0x1a0: {  	_ =	swait.ge [sflag:s14], $0x1000  }
0x1a1: {  	[sflag:s14] =	ssyncset.done $0x0  }
0x1a2: {  	s29 =	simm.s32 $0x200;
	[sflag:s14] =	ssyncadd.s32 $0xFFFFF000  }
.LBB2_5:
0x1a3: {  	v4 =	vld [tilespmem:$0x10420];
	_ =	sdelay $0x2  }
0x1a4: {  	v3 =	vmov s29  }
0x1a5: {  	v3 =	vshll.u32 v3, $0x5  }
0x1a6: {  	v3 =	vor.u32 v0, v3;
	v5 =	vand.u32 $0xFFFFFFF8, v4  }
0x1a7: {  	v4 =	vand.u32 $0x7, v4;
	v5 =	vadd.s32 v3, v5  }
0x1a8: {  	v4 =	vor.u32 v4, v5;
	_ =	sdelay $0x3  }
0x1a9: {  	v57 =	vld [tilespmem:$0x10620]  }
0x1aa: {  	s30 =	sadd.s32 $0xFFFFFE00, s29;
	v4 =	vld.idx.msk [tilespmem:v4+s20+$0x0], $0xffff  }
0x1ab: {  	s31 =	sand.u32 $0xC00, s28;
	s30 =	sand.u32 $0x70, s30  }
0x1ac: {  	s30 =	sor.u32 s31, s30  }
0x1ad: {  	s30 =	sor.u32 $0x4000, s30  }
0x1ae: {  	v5 =	vadd.s32 s30, v57  }
0x1af: {  	v4 =	vmul.f32 v4, v1;
	_ =	sdelay $0x1  }
0x1b0: {  	v4 =	vadd.f32 v4, v2;
	_ =	sdelay $0x1  }
0x1b1: {  	[tilespmem:v5+s16+$0x0] =	vst.idx.msk $0xffff, v4  }
0x1b2: {  	v4 =	vld [tilespmem:$0x10430];
	_ =	sdelay $0x4  }
0x1b3: {  	v58 =	vand.u32 $0xFFFFFFF8, v4  }
0x1b4: {  	v4 =	vand.u32 $0x7, v4;
	v5 =	vadd.s32 v3, v58  }
0x1b5: {  	v4 =	vor.u32 v4, v5;
	_ =	sdelay $0x3  }
0x1b6: {  	v59 =	vld [tilespmem:$0x10630]  }
0x1b7: {  	v4 =	vld.idx.msk [tilespmem:v4+s20+$0x0], $0xffff;
	_ =	sdelay $0x3  }
0x1b8: {  	v5 =	vadd.s32 s30, v59  }
0x1b9: {  	v4 =	vmul.f32 v4, v1;
	_ =	sdelay $0x1  }
0x1ba: {  	v4 =	vadd.f32 v4, v2;
	_ =	sdelay $0x1  }
0x1bb: {  	[tilespmem:v5+s16+$0x0] =	vst.idx.msk $0xffff, v4  }
0x1bc: {  	v4 =	vld [tilespmem:$0x10440];
	_ =	sdelay $0x4  }
0x1bd: {  	v60 =	vand.u32 $0xFFFFFFF8, v4  }
0x1be: {  	v4 =	vand.u32 $0x7, v4;
	v5 =	vadd.s32 v3, v60  }
0x1bf: {  	v4 =	vor.u32 v4, v5;
	_ =	sdelay $0x3  }
0x1c0: {  	v61 =	vld [tilespmem:$0x10640]  }
0x1c1: {  	v4 =	vld.idx.msk [tilespmem:v4+s20+$0x0], $0xffff;
	_ =	sdelay $0x3  }
0x1c2: {  	v5 =	vadd.s32 s30, v61  }
0x1c3: {  	v4 =	vmul.f32 v4, v1;
	_ =	sdelay $0x1  }
0x1c4: {  	v4 =	vadd.f32 v4, v2;
	_ =	sdelay $0x1  }
0x1c5: {  	[tilespmem:v5+s16+$0x0] =	vst.idx.msk $0xffff, v4  }
0x1c6: {  	v4 =	vld [tilespmem:$0x10450];
	_ =	sdelay $0x4  }
0x1c7: {  	v62 =	vand.u32 $0xFFFFFFF8, v4  }
0x1c8: {  	v4 =	vand.u32 $0x7, v4;
	v5 =	vadd.s32 v3, v62  }
0x1c9: {  	v4 =	vor.u32 v4, v5;
	_ =	sdelay $0x3  }
0x1ca: {  	v63 =	vld [tilespmem:$0x10650]  }
0x1cb: {  	v4 =	vld.idx.msk [tilespmem:v4+s20+$0x0], $0xffff;
	_ =	sdelay $0x3  }
0x1cc: {  	v5 =	vadd.s32 s30, v63  }
0x1cd: {  	v4 =	vmul.f32 v4, v1;
	_ =	sdelay $0x1  }
0x1ce: {  	v4 =	vadd.f32 v4, v2;
	_ =	sdelay $0x1  }
0x1cf: {  	[tilespmem:v5+s16+$0x0] =	vst.idx.msk $0xffff, v4  }
0x1d0: {  	v4 =	vld [tilespmem:$0x10460];
	_ =	sdelay $0x4  }
0x1d1: {  	v8 =	vand.u32 $0xFFFFFFF8, v4  }
0x1d2: {  	v4 =	vand.u32 $0x7, v4;
	v5 =	vadd.s32 v3, v8  }
0x1d3: {  	v4 =	vor.u32 v4, v5;
	_ =	sdelay $0x3  }
0x1d4: {  	v9 =	vld [tilespmem:$0x10660]  }
0x1d5: {  	v4 =	vld.idx.msk [tilespmem:v4+s20+$0x0], $0xffff;
	_ =	sdelay $0x3  }
0x1d6: {  	v5 =	vadd.s32 s30, v9  }
0x1d7: {  	v4 =	vmul.f32 v4, v1;
	_ =	sdelay $0x1  }
0x1d8: {  	v4 =	vadd.f32 v4, v2;
	_ =	sdelay $0x1  }
0x1d9: {  	[tilespmem:v5+s16+$0x0] =	vst.idx.msk $0xffff, v4  }
0x1da: {  	v4 =	vld [tilespmem:$0x10470];
	_ =	sdelay $0x4  }
0x1db: {  	v10 =	vand.u32 $0xFFFFFFF8, v4  }
0x1dc: {  	v4 =	vand.u32 $0x7, v4;
	v5 =	vadd.s32 v3, v10  }
0x1dd: {  	v4 =	vor.u32 v4, v5;
	_ =	sdelay $0x3  }
0x1de: {  	v11 =	vld [tilespmem:$0x10670]  }
0x1df: {  	v4 =	vld.idx.msk [tilespmem:v4+s20+$0x0], $0xffff;
	_ =	sdelay $0x3  }
0x1e0: {  	v5 =	vadd.s32 s30, v11  }
0x1e1: {  	v4 =	vmul.f32 v4, v1;
	_ =	sdelay $0x1  }
0x1e2: {  	v4 =	vadd.f32 v4, v2;
	_ =	sdelay $0x1  }
0x1e3: {  	[tilespmem:v5+s16+$0x0] =	vst.idx.msk $0xffff, v4  }
0x1e4: {  	v4 =	vld [tilespmem:$0x10480];
	_ =	sdelay $0x4  }
0x1e5: {  	v12 =	vand.u32 $0xFFFFFFF8, v4  }
0x1e6: {  	v4 =	vand.u32 $0x7, v4;
	v5 =	vadd.s32 v3, v12  }
0x1e7: {  	v4 =	vor.u32 v4, v5;
	_ =	sdelay $0x3  }
0x1e8: {  	v13 =	vld [tilespmem:$0x10680]  }
0x1e9: {  	v4 =	vld.idx.msk [tilespmem:v4+s20+$0x0], $0xffff;
	_ =	sdelay $0x3  }
0x1ea: {  	v5 =	vadd.s32 s30, v13  }
0x1eb: {  	v4 =	vmul.f32 v4, v1;
	_ =	sdelay $0x1  }
0x1ec: {  	v4 =	vadd.f32 v4, v2;
	_ =	sdelay $0x1  }
0x1ed: {  	[tilespmem:v5+s16+$0x0] =	vst.idx.msk $0xffff, v4  }
0x1ee: {  	v4 =	vld [tilespmem:$0x10490];
	_ =	sdelay $0x4  }
0x1ef: {  	v14 =	vand.u32 $0xFFFFFFF8, v4  }
0x1f0: {  	v4 =	vand.u32 $0x7, v4;
	v5 =	vadd.s32 v3, v14  }
0x1f1: {  	v4 =	vor.u32 v4, v5;
	_ =	sdelay $0x3  }
0x1f2: {  	v15 =	vld [tilespmem:$0x10690]  }
0x1f3: {  	v4 =	vld.idx.msk [tilespmem:v4+s20+$0x0], $0xffff;
	_ =	sdelay $0x3  }
0x1f4: {  	v5 =	vadd.s32 s30, v15  }
0x1f5: {  	v4 =	vmul.f32 v4, v1;
	_ =	sdelay $0x1  }
0x1f6: {  	v4 =	vadd.f32 v4, v2;
	_ =	sdelay $0x1  }
0x1f7: {  	[tilespmem:v5+s16+$0x0] =	vst.idx.msk $0xffff, v4  }
0x1f8: {  	v4 =	vld [tilespmem:$0x104A0];
	_ =	sdelay $0x4  }
0x1f9: {  	v16 =	vand.u32 $0xFFFFFFF8, v4  }
0x1fa: {  	v4 =	vand.u32 $0x7, v4;
	v5 =	vadd.s32 v3, v16  }
0x1fb: {  	v4 =	vor.u32 v4, v5;
	_ =	sdelay $0x3  }
0x1fc: {  	v17 =	vld [tilespmem:$0x106A0]  }
0x1fd: {  	v4 =	vld.idx.msk [tilespmem:v4+s20+$0x0], $0xffff;
	_ =	sdelay $0x3  }
0x1fe: {  	v5 =	vadd.s32 s30, v17  }
0x1ff: {  	v4 =	vmul.f32 v4, v1;
	_ =	sdelay $0x1  }
0x200: {  	v4 =	vadd.f32 v4, v2;
	_ =	sdelay $0x1  }
0x201: {  	[tilespmem:v5+s16+$0x0] =	vst.idx.msk $0xffff, v4  }
0x202: {  	v4 =	vld [tilespmem:$0x104B0];
	_ =	sdelay $0x4  }
0x203: {  	v18 =	vand.u32 $0xFFFFFFF8, v4  }
0x204: {  	v4 =	vand.u32 $0x7, v4;
	v5 =	vadd.s32 v3, v18  }
0x205: {  	v4 =	vor.u32 v4, v5;
	_ =	sdelay $0x3  }
0x206: {  	v19 =	vld [tilespmem:$0x106B0]  }
0x207: {  	v4 =	vld.idx.msk [tilespmem:v4+s20+$0x0], $0xffff;
	_ =	sdelay $0x3  }
0x208: {  	v5 =	vadd.s32 s30, v19  }
0x209: {  	v4 =	vmul.f32 v4, v1;
	_ =	sdelay $0x1  }
0x20a: {  	v4 =	vadd.f32 v4, v2;
	_ =	sdelay $0x1  }
0x20b: {  	[tilespmem:v5+s16+$0x0] =	vst.idx.msk $0xffff, v4  }
0x20c: {  	v4 =	vld [tilespmem:$0x104C0];
	_ =	sdelay $0x4  }
0x20d: {  	v20 =	vand.u32 $0xFFFFFFF8, v4  }
0x20e: {  	v4 =	vand.u32 $0x7, v4;
	v5 =	vadd.s32 v3, v20  }
0x20f: {  	v4 =	vor.u32 v4, v5;
	_ =	sdelay $0x3  }
0x210: {  	v21 =	vld [tilespmem:$0x106C0]  }
0x211: {  	v4 =	vld.idx.msk [tilespmem:v4+s20+$0x0], $0xffff;
	_ =	sdelay $0x3  }
0x212: {  	v5 =	vadd.s32 s30, v21  }
0x213: {  	v4 =	vmul.f32 v4, v1;
	_ =	sdelay $0x1  }
0x214: {  	v4 =	vadd.f32 v4, v2;
	_ =	sdelay $0x1  }
0x215: {  	[tilespmem:v5+s16+$0x0] =	vst.idx.msk $0xffff, v4  }
0x216: {  	v4 =	vld [tilespmem:$0x104D0];
	_ =	sdelay $0x4  }
0x217: {  	v22 =	vand.u32 $0xFFFFFFF8, v4  }
0x218: {  	v4 =	vand.u32 $0x7, v4;
	v5 =	vadd.s32 v3, v22  }
0x219: {  	v4 =	vor.u32 v4, v5;
	_ =	sdelay $0x3  }
0x21a: {  	v23 =	vld [tilespmem:$0x106D0]  }
0x21b: {  	v4 =	vld.idx.msk [tilespmem:v4+s20+$0x0], $0xffff;
	_ =	sdelay $0x3  }
0x21c: {  	v5 =	vadd.s32 s30, v23  }
0x21d: {  	v4 =	vmul.f32 v4, v1;
	_ =	sdelay $0x1  }
0x21e: {  	v4 =	vadd.f32 v4, v2;
	_ =	sdelay $0x1  }
0x21f: {  	[tilespmem:v5+s16+$0x0] =	vst.idx.msk $0xffff, v4  }
0x220: {  	v4 =	vld [tilespmem:$0x104E0];
	_ =	sdelay $0x4  }
0x221: {  	v24 =	vand.u32 $0xFFFFFFF8, v4  }
0x222: {  	v4 =	vand.u32 $0x7, v4;
	v5 =	vadd.s32 v3, v24  }
0x223: {  	v4 =	vor.u32 v4, v5;
	_ =	sdelay $0x3  }
0x224: {  	v25 =	vld [tilespmem:$0x106E0]  }
0x225: {  	v4 =	vld.idx.msk [tilespmem:v4+s20+$0x0], $0xffff;
	_ =	sdelay $0x3  }
0x226: {  	v5 =	vadd.s32 s30, v25  }
0x227: {  	v4 =	vmul.f32 v4, v1;
	_ =	sdelay $0x1  }
0x228: {  	v4 =	vadd.f32 v4, v2;
	_ =	sdelay $0x1  }
0x229: {  	[tilespmem:v5+s16+$0x0] =	vst.idx.msk $0xffff, v4  }
0x22a: {  	v4 =	vld [tilespmem:$0x104F0];
	_ =	sdelay $0x4  }
0x22b: {  	v26 =	vand.u32 $0xFFFFFFF8, v4  }
0x22c: {  	v4 =	vand.u32 $0x7, v4;
	v5 =	vadd.s32 v3, v26  }
0x22d: {  	v4 =	vor.u32 v4, v5;
	_ =	sdelay $0x3  }
0x22e: {  	v27 =	vld [tilespmem:$0x106F0]  }
0x22f: {  	v4 =	vld.idx.msk [tilespmem:v4+s20+$0x0], $0xffff;
	_ =	sdelay $0x3  }
0x230: {  	v5 =	vadd.s32 s30, v27  }
0x231: {  	v4 =	vmul.f32 v4, v1;
	_ =	sdelay $0x1  }
0x232: {  	v4 =	vadd.f32 v4, v2;
	_ =	sdelay $0x1  }
0x233: {  	[tilespmem:v5+s16+$0x0] =	vst.idx.msk $0xffff, v4  }
0x234: {  	v4 =	vld [tilespmem:$0x10500];
	_ =	sdelay $0x4  }
0x235: {  	v28 =	vand.u32 $0xFFFFFFF8, v4  }
0x236: {  	v4 =	vand.u32 $0x7, v4;
	v5 =	vadd.s32 v3, v28  }
0x237: {  	v4 =	vor.u32 v4, v5;
	_ =	sdelay $0x3  }
0x238: {  	v29 =	vld [tilespmem:$0x10700]  }
0x239: {  	v4 =	vld.idx.msk [tilespmem:v4+s20+$0x0], $0xffff;
	_ =	sdelay $0x3  }
0x23a: {  	v5 =	vadd.s32 s30, v29  }
0x23b: {  	v4 =	vmul.f32 v4, v1;
	_ =	sdelay $0x1  }
0x23c: {  	v4 =	vadd.f32 v4, v2;
	_ =	sdelay $0x1  }
0x23d: {  	[tilespmem:v5+s16+$0x0] =	vst.idx.msk $0xffff, v4  }
0x23e: {  	v4 =	vld [tilespmem:$0x10510];
	_ =	sdelay $0x4  }
0x23f: {  	v30 =	vand.u32 $0xFFFFFFF8, v4  }
0x240: {  	v4 =	vand.u32 $0x7, v4;
	v5 =	vadd.s32 v3, v30  }
0x241: {  	v4 =	vor.u32 v4, v5;
	_ =	sdelay $0x3  }
0x242: {  	v31 =	vld [tilespmem:$0x10710]  }
0x243: {  	v4 =	vld.idx.msk [tilespmem:v4+s20+$0x0], $0xffff;
	_ =	sdelay $0x3  }
0x244: {  	v5 =	vadd.s32 s30, v31  }
0x245: {  	v4 =	vmul.f32 v4, v1;
	_ =	sdelay $0x1  }
0x246: {  	v4 =	vadd.f32 v4, v2;
	_ =	sdelay $0x1  }
0x247: {  	[tilespmem:v5+s16+$0x0] =	vst.idx.msk $0xffff, v4  }
0x248: {  	v4 =	vld [tilespmem:$0x10520];
	_ =	sdelay $0x4  }
0x249: {  	v32 =	vand.u32 $0xFFFFFFF8, v4  }
0x24a: {  	v4 =	vand.u32 $0x7, v4;
	v5 =	vadd.s32 v3, v32  }
0x24b: {  	v4 =	vor.u32 v4, v5;
	_ =	sdelay $0x3  }
0x24c: {  	v33 =	vld [tilespmem:$0x10720]  }
0x24d: {  	v4 =	vld.idx.msk [tilespmem:v4+s20+$0x0], $0xffff;
	_ =	sdelay $0x3  }
0x24e: {  	v5 =	vadd.s32 s30, v33  }
0x24f: {  	v4 =	vmul.f32 v4, v1;
	_ =	sdelay $0x1  }
0x250: {  	v4 =	vadd.f32 v4, v2;
	_ =	sdelay $0x1  }
0x251: {  	[tilespmem:v5+s16+$0x0] =	vst.idx.msk $0xffff, v4  }
0x252: {  	v4 =	vld [tilespmem:$0x10530];
	_ =	sdelay $0x4  }
0x253: {  	v34 =	vand.u32 $0xFFFFFFF8, v4  }
0x254: {  	v4 =	vand.u32 $0x7, v4;
	v5 =	vadd.s32 v3, v34  }
0x255: {  	v4 =	vor.u32 v4, v5;
	_ =	sdelay $0x3  }
0x256: {  	v35 =	vld [tilespmem:$0x10730]  }
0x257: {  	v4 =	vld.idx.msk [tilespmem:v4+s20+$0x0], $0xffff;
	_ =	sdelay $0x3  }
0x258: {  	v5 =	vadd.s32 s30, v35  }
0x259: {  	v4 =	vmul.f32 v4, v1;
	_ =	sdelay $0x1  }
0x25a: {  	v4 =	vadd.f32 v4, v2;
	_ =	sdelay $0x1  }
0x25b: {  	[tilespmem:v5+s16+$0x0] =	vst.idx.msk $0xffff, v4  }
0x25c: {  	v4 =	vld [tilespmem:$0x10540];
	_ =	sdelay $0x4  }
0x25d: {  	v36 =	vand.u32 $0xFFFFFFF8, v4  }
0x25e: {  	v4 =	vand.u32 $0x7, v4;
	v5 =	vadd.s32 v3, v36  }
0x25f: {  	v4 =	vor.u32 v4, v5;
	_ =	sdelay $0x3  }
0x260: {  	v37 =	vld [tilespmem:$0x10740]  }
0x261: {  	v4 =	vld.idx.msk [tilespmem:v4+s20+$0x0], $0xffff;
	_ =	sdelay $0x3  }
0x262: {  	v5 =	vadd.s32 s30, v37  }
0x263: {  	v4 =	vmul.f32 v4, v1;
	_ =	sdelay $0x1  }
0x264: {  	v4 =	vadd.f32 v4, v2;
	_ =	sdelay $0x1  }
0x265: {  	[tilespmem:v5+s16+$0x0] =	vst.idx.msk $0xffff, v4  }
0x266: {  	v4 =	vld [tilespmem:$0x10550];
	_ =	sdelay $0x4  }
0x267: {  	v38 =	vand.u32 $0xFFFFFFF8, v4  }
0x268: {  	v4 =	vand.u32 $0x7, v4;
	v5 =	vadd.s32 v3, v38  }
0x269: {  	v4 =	vor.u32 v4, v5;
	_ =	sdelay $0x3  }
0x26a: {  	v39 =	vld [tilespmem:$0x10750]  }
0x26b: {  	v4 =	vld.idx.msk [tilespmem:v4+s20+$0x0], $0xffff;
	_ =	sdelay $0x3  }
0x26c: {  	v5 =	vadd.s32 s30, v39  }
0x26d: {  	v4 =	vmul.f32 v4, v1;
	_ =	sdelay $0x1  }
0x26e: {  	v4 =	vadd.f32 v4, v2;
	_ =	sdelay $0x1  }
0x26f: {  	[tilespmem:v5+s16+$0x0] =	vst.idx.msk $0xffff, v4  }
0x270: {  	v4 =	vld [tilespmem:$0x10560];
	_ =	sdelay $0x4  }
0x271: {  	v40 =	vand.u32 $0xFFFFFFF8, v4  }
0x272: {  	v4 =	vand.u32 $0x7, v4;
	v5 =	vadd.s32 v3, v40  }
0x273: {  	v4 =	vor.u32 v4, v5;
	_ =	sdelay $0x3  }
0x274: {  	v41 =	vld [tilespmem:$0x10760]  }
0x275: {  	v4 =	vld.idx.msk [tilespmem:v4+s20+$0x0], $0xffff;
	_ =	sdelay $0x3  }
0x276: {  	v5 =	vadd.s32 s30, v41  }
0x277: {  	v4 =	vmul.f32 v4, v1;
	_ =	sdelay $0x1  }
0x278: {  	v4 =	vadd.f32 v4, v2;
	_ =	sdelay $0x1  }
0x279: {  	[tilespmem:v5+s16+$0x0] =	vst.idx.msk $0xffff, v4  }
0x27a: {  	v4 =	vld [tilespmem:$0x10570];
	_ =	sdelay $0x4  }
0x27b: {  	v42 =	vand.u32 $0xFFFFFFF8, v4  }
0x27c: {  	v4 =	vand.u32 $0x7, v4;
	v5 =	vadd.s32 v3, v42  }
0x27d: {  	v4 =	vor.u32 v4, v5;
	_ =	sdelay $0x3  }
0x27e: {  	v43 =	vld [tilespmem:$0x10770]  }
0x27f: {  	v4 =	vld.idx.msk [tilespmem:v4+s20+$0x0], $0xffff;
	_ =	sdelay $0x3  }
0x280: {  	v5 =	vadd.s32 s30, v43  }
0x281: {  	v4 =	vmul.f32 v4, v1;
	_ =	sdelay $0x1  }
0x282: {  	v4 =	vadd.f32 v4, v2;
	_ =	sdelay $0x1  }
0x283: {  	[tilespmem:v5+s16+$0x0] =	vst.idx.msk $0xffff, v4  }
0x284: {  	v4 =	vld [tilespmem:$0x10580];
	_ =	sdelay $0x4  }
0x285: {  	v44 =	vand.u32 $0xFFFFFFF8, v4  }
0x286: {  	v4 =	vand.u32 $0x7, v4;
	v5 =	vadd.s32 v3, v44  }
0x287: {  	v4 =	vor.u32 v4, v5;
	_ =	sdelay $0x3  }
0x288: {  	v45 =	vld [tilespmem:$0x10780]  }
0x289: {  	v4 =	vld.idx.msk [tilespmem:v4+s20+$0x0], $0xffff;
	_ =	sdelay $0x3  }
0x28a: {  	v5 =	vadd.s32 s30, v45  }
0x28b: {  	v4 =	vmul.f32 v4, v1;
	_ =	sdelay $0x1  }
0x28c: {  	v4 =	vadd.f32 v4, v2;
	_ =	sdelay $0x1  }
0x28d: {  	[tilespmem:v5+s16+$0x0] =	vst.idx.msk $0xffff, v4  }
0x28e: {  	v4 =	vld [tilespmem:$0x10590];
	_ =	sdelay $0x4  }
0x28f: {  	v46 =	vand.u32 $0xFFFFFFF8, v4  }
0x290: {  	v4 =	vand.u32 $0x7, v4;
	v5 =	vadd.s32 v3, v46  }
0x291: {  	v4 =	vor.u32 v4, v5;
	_ =	sdelay $0x3  }
0x292: {  	v47 =	vld [tilespmem:$0x10790]  }
0x293: {  	v4 =	vld.idx.msk [tilespmem:v4+s20+$0x0], $0xffff;
	_ =	sdelay $0x3  }
0x294: {  	v5 =	vadd.s32 s30, v47  }
0x295: {  	v4 =	vmul.f32 v4, v1;
	_ =	sdelay $0x1  }
0x296: {  	v4 =	vadd.f32 v4, v2;
	_ =	sdelay $0x1  }
0x297: {  	[tilespmem:v5+s16+$0x0] =	vst.idx.msk $0xffff, v4  }
0x298: {  	v4 =	vld [tilespmem:$0x105A0];
	_ =	sdelay $0x4  }
0x299: {  	v48 =	vand.u32 $0xFFFFFFF8, v4  }
0x29a: {  	v4 =	vand.u32 $0x7, v4;
	v5 =	vadd.s32 v3, v48  }
0x29b: {  	v4 =	vor.u32 v4, v5;
	_ =	sdelay $0x3  }
0x29c: {  	v49 =	vld [tilespmem:$0x107A0]  }
0x29d: {  	v4 =	vld.idx.msk [tilespmem:v4+s20+$0x0], $0xffff;
	_ =	sdelay $0x3  }
0x29e: {  	v5 =	vadd.s32 s30, v49  }
0x29f: {  	v4 =	vmul.f32 v4, v1;
	_ =	sdelay $0x1  }
0x2a0: {  	v4 =	vadd.f32 v4, v2;
	_ =	sdelay $0x1  }
0x2a1: {  	[tilespmem:v5+s16+$0x0] =	vst.idx.msk $0xffff, v4  }
0x2a2: {  	v4 =	vld [tilespmem:$0x105B0];
	_ =	sdelay $0x4  }
0x2a3: {  	v50 =	vand.u32 $0xFFFFFFF8, v4  }
0x2a4: {  	v4 =	vand.u32 $0x7, v4;
	v5 =	vadd.s32 v3, v50  }
0x2a5: {  	v4 =	vor.u32 v4, v5;
	_ =	sdelay $0x3  }
0x2a6: {  	v51 =	vld [tilespmem:$0x107B0]  }
0x2a7: {  	v4 =	vld.idx.msk [tilespmem:v4+s20+$0x0], $0xffff;
	_ =	sdelay $0x3  }
0x2a8: {  	v5 =	vadd.s32 s30, v51  }
0x2a9: {  	v4 =	vmul.f32 v4, v1;
	_ =	sdelay $0x1  }
0x2aa: {  	v4 =	vadd.f32 v4, v2;
	_ =	sdelay $0x1  }
0x2ab: {  	[tilespmem:v5+s16+$0x0] =	vst.idx.msk $0xffff, v4  }
0x2ac: {  	v4 =	vld [tilespmem:$0x105C0];
	_ =	sdelay $0x4  }
0x2ad: {  	v52 =	vand.u32 $0xFFFFFFF8, v4  }
0x2ae: {  	v4 =	vand.u32 $0x7, v4;
	v5 =	vadd.s32 v3, v52  }
0x2af: {  	v4 =	vor.u32 v4, v5;
	_ =	sdelay $0x3  }
0x2b0: {  	v53 =	vld [tilespmem:$0x107C0]  }
0x2b1: {  	v4 =	vld.idx.msk [tilespmem:v4+s20+$0x0], $0xffff;
	_ =	sdelay $0x3  }
0x2b2: {  	v5 =	vadd.s32 s30, v53  }
0x2b3: {  	v4 =	vmul.f32 v4, v1;
	_ =	sdelay $0x1  }
0x2b4: {  	v4 =	vadd.f32 v4, v2;
	_ =	sdelay $0x1  }
0x2b5: {  	[tilespmem:v5+s16+$0x0] =	vst.idx.msk $0xffff, v4  }
0x2b6: {  	v4 =	vld [tilespmem:$0x105D0];
	_ =	sdelay $0x4  }
0x2b7: {  	v54 =	vand.u32 $0xFFFFFFF8, v4  }
0x2b8: {  	v4 =	vand.u32 $0x7, v4;
	v5 =	vadd.s32 v3, v54  }
0x2b9: {  	v4 =	vor.u32 v4, v5;
	_ =	sdelay $0x3  }
0x2ba: {  	v55 =	vld [tilespmem:$0x107D0]  }
0x2bb: {  	v4 =	vld.idx.msk [tilespmem:v4+s20+$0x0], $0xffff;
	_ =	sdelay $0x3  }
0x2bc: {  	v5 =	vadd.s32 s30, v55  }
0x2bd: {  	v4 =	vmul.f32 v4, v1;
	_ =	sdelay $0x1  }
0x2be: {  	v4 =	vadd.f32 v4, v2;
	_ =	sdelay $0x1  }
0x2bf: {  	[tilespmem:v5+s16+$0x0] =	vst.idx.msk $0xffff, v4  }
0x2c0: {  	v4 =	vld [tilespmem:$0x105E0];
	_ =	sdelay $0x4  }
0x2c1: {  	v56 =	vand.u32 $0xFFFFFFF8, v4  }
0x2c2: {  	v4 =	vand.u32 $0x7, v4;
	v5 =	vadd.s32 v3, v56  }
0x2c3: {  	v4 =	vor.u32 v4, v5;
	_ =	sdelay $0x3  }
0x2c4: {  	v57 =	vld [tilespmem:$0x107E0]  }
0x2c5: {  	v4 =	vld.idx.msk [tilespmem:v4+s20+$0x0], $0xffff;
	_ =	sdelay $0x3  }
0x2c6: {  	v5 =	vadd.s32 s30, v57  }
0x2c7: {  	v4 =	vmul.f32 v4, v1;
	_ =	sdelay $0x1  }
0x2c8: {  	v4 =	vadd.f32 v4, v2;
	_ =	sdelay $0x1  }
0x2c9: {  	[tilespmem:v5+s16+$0x0] =	vst.idx.msk $0xffff, v4  }
0x2ca: {  	v4 =	vld [tilespmem:$0x105F0];
	_ =	sdelay $0x4  }
0x2cb: {  	v58 =	vand.u32 $0xFFFFFFF8, v4  }
0x2cc: {  	v4 =	vand.u32 $0x7, v4;
	v5 =	vadd.s32 v3, v58  }
0x2cd: {  	v4 =	vor.u32 v4, v5;
	_ =	sdelay $0x3  }
0x2ce: {  	v59 =	vld [tilespmem:$0x107F0]  }
0x2cf: {  	v4 =	vld.idx.msk [tilespmem:v4+s20+$0x0], $0xffff;
	_ =	sdelay $0x3  }
0x2d0: {  	v5 =	vadd.s32 s30, v59  }
0x2d1: {  	v4 =	vmul.f32 v4, v1;
	_ =	sdelay $0x1  }
0x2d2: {  	v4 =	vadd.f32 v4, v2;
	_ =	sdelay $0x1  }
0x2d3: {  	[tilespmem:v5+s16+$0x0] =	vst.idx.msk $0xffff, v4  }
0x2d4: {  	v4 =	vld [tilespmem:$0x10600];
	_ =	sdelay $0x4  }
0x2d5: {  	v60 =	vand.u32 $0xFFFFFFF8, v4  }
0x2d6: {  	v4 =	vand.u32 $0x7, v4;
	v5 =	vadd.s32 v3, v60  }
0x2d7: {  	v4 =	vor.u32 v4, v5;
	_ =	sdelay $0x3  }
0x2d8: {  	v61 =	vld [tilespmem:$0x10800]  }
0x2d9: {  	v4 =	vld.idx.msk [tilespmem:v4+s20+$0x0], $0xffff;
	_ =	sdelay $0x3  }
0x2da: {  	v5 =	vadd.s32 s30, v61  }
0x2db: {  	v4 =	vmul.f32 v4, v1;
	_ =	sdelay $0x1  }
0x2dc: {  	v4 =	vadd.f32 v4, v2;
	_ =	sdelay $0x1  }
0x2dd: {  	[tilespmem:v5+s16+$0x0] =	vst.idx.msk $0xffff, v4  }
0x2de: {  	v4 =	vld [tilespmem:$0x10610];
	_ =	sdelay $0x4  }
0x2df: {  	v62 =	vand.u32 $0xFFFFFFF8, v4  }
0x2e0: {  	v4 =	vand.u32 $0x7, v4;
	v3 =	vadd.s32 v3, v62  }
0x2e1: {  	v3 =	vor.u32 v4, v3;
	_ =	sdelay $0x3  }
0x2e2: {  	v63 =	vld [tilespmem:$0x10810]  }
0x2e3: {  	v3 =	vld.idx.msk [tilespmem:v3+s20+$0x0], $0xffff;
	_ =	sdelay $0x3  }
0x2e4: {  	p0 =	sne.s32 s29, $0x3F0;
	v4 =	vadd.s32 s30, v63  }
.Ltmp1:
0x2e5: {  	v3 =	vmul.f32 v3, v1;
	(pc) =	sbr.rel @p0 .LBB2_5-.Ltmp1, $3  }
0x2e6: {  	_ = 	snop  }
0x2e7: {  	v3 =	vadd.f32 v3, v2;
	_ =	sdelay $0x1  }
0x2e8: {  	s28 =	sadd.s32 $0x80, s28;
	s29 =	sadd.s32 $0x10, s29;
	[tilespmem:v4+s16+$0x0] =	vst.idx.msk $0xffff, v3  }
0x2e9: {  	s26 =	sshll.u32 s26, $0x13  }
0x2ea: {  	s26 =	sor.u32 s9, s26  }
0x2eb: {  	s26 =	sshrl.u32 s26, $0x3  }
0x2ec: {  	s28 =	sadd.s32 s1, s26  }
0x2ed: {  	[hbm4b:s28+s2] =	stream.linear.scatter [tilespmem:s15], [sflag:$0x3], $0x1000, $0x38;
	[tilespmem:$0x10820] =	vst v63  }
0x2ee: {  	s30 =	sadd.s32 s26, s10  }
0x2ef: {  	[hbm4b:s30+s2] =	stream.linear.scatter [tilespmem:s21], [sflag:$0x3], $0x1000, $0x38;
	[tilespmem:$0x10820] =	vst v63  }
0x2f0: {  	s31 =	sadd.s32 s26, s11  }
0x2f1: {  	[hbm4b:s31+s2] =	stream.linear.scatter [tilespmem:s22], [sflag:$0x3], $0x1000, $0x38;
	[tilespmem:$0x10820] =	vst v63  }
0x2f2: {  	s26 =	sadd.s32 s26, s12  }
0x2f3: {  	[hbm4b:s26+s2] =	stream.linear.scatter [tilespmem:s23], [sflag:$0x3], $0x1000, $0x38;
	[tilespmem:$0x10820] =	vst v63  }
0x2f4: {  	_ =	swait.ge [sflag:s24], $0x1000  }
0x2f5: {  	[sflag:s24] =	ssyncset.done $0x0  }
0x2f6: {  	[sflag:s24] =	ssyncadd.s32 $0xFFFFF000  }
0x2f7: {  	_ =	swait.ge [sflag:s24], $0x1000  }
0x2f8: {  	[sflag:s24] =	ssyncset.done $0x0  }
0x2f9: {  	[sflag:s24] =	ssyncadd.s32 $0xFFFFF000  }
0x2fa: {  	_ =	swait.ge [sflag:s24], $0x1000  }
0x2fb: {  	[sflag:s24] =	ssyncset.done $0x0  }
0x2fc: {  	[sflag:s24] =	ssyncadd.s32 $0xFFFFF000  }
0x2fd: {  	_ =	swait.ge [sflag:s24], $0x1000  }
0x2fe: {  	[sflag:s24] =	ssyncset.done $0x0  }
0x2ff: {  	[sflag:s24] =	ssyncadd.s32 $0xFFFFF000  }
0x300: {  	_ =	swait.ge [sflag:s24], $0x1000  }
0x301: {  	[sflag:s24] =	ssyncset.done $0x0  }
0x302: {  	[sflag:s24] =	ssyncadd.s32 $0xFFFFF000  }
0x303: {  	_ =	swait.ge [sflag:s24], $0x1000  }
0x304: {  	[sflag:s24] =	ssyncset.done $0x0  }
0x305: {  	s25 =	sadd.s32 $0x1, s25;
	[sflag:s24] =	ssyncadd.s32 $0xFFFFF000  }
0x306: {  	p0 =	sne.s32 s25, $0x19;
	_ =	swait.ge [sflag:s24], $0x1000  }
.Ltmp2:
0x307: {  	[sflag:s24] =	ssyncset.done $0x0;
	(pc) =	sbr.rel @p0 .LBB2_2-.Ltmp2, $4  }
0x308: {  	[sflag:s24] =	ssyncadd.s32 $0xFFFFF000  }
0x309: {  	_ =	swait.ge [sflag:s24], $0x1000  }
0x30a: {  	[sflag:s24] =	ssyncset.done $0x0  }
0x30b: {  	[sflag:s24] =	ssyncadd.s32 $0xFFFFF000  }
0x30c: {  	s26 =	rddreg [dreg:$0x6]  }
0x30d: {  	s25 =	rddreg [dreg:$0x5];
	s26 =	sadd.s32 $0x1, s26  }
0x30e: {  	p0 =	sne.s32 s26, s25  }
.Ltmp3:
0x30f: {  	_ = 	snop;
	(pc) =	sbr.rel @p0 .LBB2_1-.Ltmp3, $1  }
0x310: {  	_ =	sdelay $0x3  }
0x311: {  	_ =	sfence.sel $0x180000  }
0x312: {  	[bflag:$0x0] =	sbarrier.arrive $0xFFFF  }
0x313: {  	_ =	strace $0x90000047  }
0x314: {  	s0 =	stileid.u32;
	[bflag:$0x2] =	sbarrier.arrive $0xFFFF  }
0x315: {  	p0 =	sne.s32 s0, $0x0;
	s0 =	rddreg [dreg:$0x2]  }
0x316: {  	s0 =	sadd.s32 @!p0 $0x100000, s0  }
0x317: {  	[sflag:s0] =	ssyncadd.tile.s32 @!p0 $0x1;
	_ =	shalt  }
.Lfunc_end2:
_tile_overlayer_lowered:
.L_overlay_start_2:
0x318: {  	(tag) =	ssettag $0x2  }
0x319: {  	s0 =	rddreg [dreg:$0x0];
	s2 =	stileid.u32  }
0x31a: {  	s1 =	rddreg [dreg:$0x1];
	p0 =	sne.s32 s2, $0x0  }
0x31b: {  	s3 =	rddreg [dreg:$0x2];
	[bflag:$0x3] =	sbarrier.arrive $0xFFFF;
	s2 =	simm.s32 @!p0 $0x1C04  }
0x31c: {  	[timem:s3], [sflag:s2] =	dma.local @!p0 [hbm:s0], s1  }
0x31d: {  	s0 =	simm.s32 @!p0 $0x4  }
0x31e: {  	_ =	swait.ge @!p0 [sflag:s0], s1  }
0x31f: {  	s1 =	ssub.s32 @!p0 $0x0, s1;
	[sflag:s0] =	ssyncset.done @!p0 $0x0  }
0x320: {  	[sflag:s0] =	ssyncadd.s32 @!p0 s1  }
0x321: {  	[bflag:$0x3] =	sbarrier.arrive $0xFFFF  }
0x322: {  	_ =	shalt  }

</sc_bundles>
